<compile_context>
chip_gen: v7x
topology: tpu7x:2x2x1
jax: 0.10.2.dev20260603
libtpu: 0.0.44.dev20260713+nightly
codegen_flags: <defaults>
</compile_context>

<pallas_src>
import functools

import jax
import jax.numpy as jnp
from jax import lax
from jax.experimental import pallas as pl
from jax.experimental.pallas import tpu as pltpu
from jax.experimental.pallas import tpu_sc as plsc

D = 1024
NC = 2
NS = 16
NW = NC * NS
C = 16
NBUF = 4
LA = 2


def _sc_gather(idxes, pe):
    nrow, ncol = idxes.shape
    b_total = nrow * ncol
    bpw = b_total // NW
    wpr = ncol // bpw
    nchunk = bpw // C
    niter = nchunk // NBUF

    mesh = plsc.VectorSubcoreMesh(core_axis_name="c", subcore_axis_name="s")

    @functools.partial(
        pl.kernel,
        mesh=mesh,
        out_type=jax.ShapeDtypeStruct((b_total, D), jnp.float32),
        scratch_types=[
            pltpu.VMEM((bpw,), jnp.int32),
        ]
        + [pltpu.VMEM((C, D), jnp.float32) for _ in range(NBUF)]
        + [pltpu.SemaphoreType.DMA for _ in range(2 * NBUF)],
    )
    def k(idx_hbm, table_hbm, out_hbm, idx_v, *rest):
        bufs = rest[:NBUF]
        gsems = rest[NBUF:2 * NBUF]
        psems = rest[2 * NBUF:]
        wid = lax.axis_index("s") * NC + lax.axis_index("c")
        base = wid * bpw
        pltpu.sync_copy(
            idx_hbm.at[wid // wpr, pl.ds((wid % wpr) * bpw, bpw)], idx_v
        )

        def gather(w, j):
            pltpu.async_copy(
                table_hbm.at[idx_v.at[pl.ds(w * C, C)]], bufs[j], gsems[j]
            )

        def put(v, j):
            pltpu.async_copy(bufs[j], out_hbm.at[pl.ds(base + v * C, C)],
                             psems[j])

        def wait_g(j):
            pltpu.make_async_copy(table_hbm.at[pl.ds(0, C)], bufs[j],
                                  gsems[j]).wait()

        def wait_p(j):
            pltpu.make_async_copy(bufs[j], out_hbm.at[pl.ds(0, C)],
                                  psems[j]).wait()

        for w in range(LA):
            gather(w, w)

        for b in range(NBUF):
            wait_g(b)
            put(b, b)
            w = b + LA
            if w >= NBUF:
                wait_p(w % NBUF)
            gather(w, w % NBUF)

        def body(i, carry):
            for b in range(NBUF):
                v = NBUF * i + b
                wait_g(b)
                put(v, b)
                bw = (b + LA) % NBUF
                wait_p(bw)
                gather(v + LA, bw)
            return carry

        lax.fori_loop(1, niter - 1, body, 0)

        for b in range(NBUF):
            v = nchunk - NBUF + b
            wait_g(b)
            put(v, b)
            if b + LA < NBUF:
                bw = (b + LA) % NBUF
                wait_p(bw)
                gather(v + LA, bw)

        for b in range(NBUF):
            wait_p(b)

    return k(idxes, pe)


def kernel(idxes, pe):
    out = _sc_gather(idxes.astype(jnp.int32), pe)
    return out.reshape(idxes.shape + (D,))

# --- scband reference (transcript-rebuilt; emitter-appended) ---
"""Pipeline reference for scband-positional-encoding-84241488544267 (READ-ONLY COPY).

The authoritative reference and input builder live on the scoring server;
editing this copy changes nothing except your own understanding.
"""

import jax, jax.numpy as jnp
import numpy as np

NUM_EMBEDDINGS = 8192
EMBEDDING_DIM = 1024


def _build_pe(num_embeddings, embedding_dim):
    position = np.arange(0, num_embeddings, dtype=np.float32)[:, None]
    div_term = np.exp(np.arange(0, embedding_dim, 2, dtype=np.float32) * (-np.log(10000.0) / embedding_dim))
    pe = np.zeros((num_embeddings, embedding_dim), dtype=np.float32)
    pe[:, 0::2] = np.sin(position * div_term)
    pe[:, 1::2] = np.cos(position * div_term)
    return jnp.asarray(pe)


def setup_inputs(seed: int = 0) -> dict:
    key = jax.random.key(seed)
    k_idx, = jax.random.split(key, 1)
    idxes = jax.random.randint(k_idx, (4, 8192), 0, NUM_EMBEDDINGS, dtype=jnp.int64 if jax.config.jax_enable_x64 else jnp.int32)
    pe = _build_pe(NUM_EMBEDDINGS, EMBEDDING_DIM)
    return {"idxes": idxes, "pe": pe}


def reference(idxes, pe):
    # Faithful translation of PositionalEncoding.forward: self.pe[idxes, :]
    return jnp.take(pe, idxes, axis=0)

if __name__ == "__main__":
    import jax
    _d = setup_inputs()
    print(jax.jit(kernel)(*tuple(_d.values())))

</pallas_src>

<mosaic_0001>
#map = affine_map<(d0, d1) -> (0, 0)>
module attributes {stable_mosaic.version = 14 : i64} {
  func.func @k(%arg0: i32, %arg1: i32, %arg2: memref<4x8192xi32, #tpu.memory_space<hbm>>, %arg3: memref<8192x1024xf32, #tpu.memory_space<hbm>>, %arg4: memref<32768x1024xf32, #tpu.memory_space<hbm>>, %arg5: memref<1024xi32, #tpu.memory_space<vmem>>, %arg6: memref<16x1024xf32, #tpu.memory_space<vmem>>, %arg7: memref<16x1024xf32, #tpu.memory_space<vmem>>, %arg8: memref<16x1024xf32, #tpu.memory_space<vmem>>, %arg9: memref<16x1024xf32, #tpu.memory_space<vmem>>, %arg10: memref<!tpu.dma_semaphore, #tpu.memory_space<semaphore_mem>>, %arg11: memref<!tpu.dma_semaphore, #tpu.memory_space<semaphore_mem>>, %arg12: memref<!tpu.dma_semaphore, #tpu.memory_space<semaphore_mem>>, %arg13: memref<!tpu.dma_semaphore, #tpu.memory_space<semaphore_mem>>, %arg14: memref<!tpu.dma_semaphore, #tpu.memory_space<semaphore_mem>>, %arg15: memref<!tpu.dma_semaphore, #tpu.memory_space<semaphore_mem>>, %arg16: memref<!tpu.dma_semaphore, #tpu.memory_space<semaphore_mem>>, %arg17: memref<!tpu.dma_semaphore, #tpu.memory_space<semaphore_mem>>) attributes {dimension_semantics = [#tpu.dimension_semantics<core_parallel>, #tpu.dimension_semantics<subcore_parallel>], iteration_bounds = array<i64: 2, 16>, scalar_prefetch = 0 : i64, scratch_operands = 13 : i64, tpu.core_type = #tpu.core_type<sc_vector_subcore>, window_params = [{transform_indices = #map}, {transform_indices = #map}, {transform_indices = #map}]} {
    %mul3A = arith.constant 2 : i32
    %mul3A_0 = arith.muli %arg1, %mul3A : i32
    %add3A = arith.addi %mul3A_0, %arg0 : i32
    %mul3A_1 = arith.constant 1024 : i32
    %mul3A_2 = arith.muli %add3A, %mul3A_1 : i32
    %jit3A = arith.constant 8 : i32
    %div3A = arith.divsi %add3A, %jit3A : i32
    %sign3A = arith.constant 0 : i32
    %sign3A_3 = arith.cmpi sgt, %add3A, %sign3A : i32
    %sign3A_4 = arith.extui %sign3A_3 : i1 to i32
    %sign3A_5 = arith.constant 0 : i32
    %sign3A_6 = arith.cmpi slt, %add3A, %sign3A_5 : i32
    %sign3A_7 = arith.extui %sign3A_6 : i1 to i32
    %sign3A_8 = arith.subi %sign3A_4, %sign3A_7 : i32
    %sign3A_9 = arith.constant 0 : i32
    %sign3A_10 = arith.cmpi sgt, %jit3A, %sign3A_9 : i32
    %sign3A_11 = arith.extui %sign3A_10 : i1 to i32
    %sign3A_12 = arith.constant 0 : i32
    %sign3A_13 = arith.cmpi slt, %jit3A, %sign3A_12 : i32
    %sign3A_14 = arith.extui %sign3A_13 : i1 to i32
    %sign3A_15 = arith.subi %sign3A_11, %sign3A_14 : i32
    %ne3A = arith.cmpi ne, %sign3A_8, %sign3A_15 : i32
    %rem3A = arith.remsi %add3A, %jit3A : i32
    %ne3A_16 = arith.constant 0 : i32
    %ne3A_17 = arith.cmpi ne, %rem3A, %ne3A_16 : i32
    %and3A = arith.andi %ne3A, %ne3A_17 : i1
    %sub3A = arith.constant 1 : i32
    %sub3A_18 = arith.subi %div3A, %sub3A : i32
    %select_n3A = arith.select %and3A, %sub3A_18, %div3A : i32
    %jit3A_19 = arith.constant 8 : i32
    %eq3A = arith.constant 0 : i32
    %eq3A_20 = arith.cmpi eq, %jit3A_19, %eq3A : i32
    %jit3A_21 = arith.constant 1 : i32
    %select_n3A_22 = arith.select %eq3A_20, %jit3A_21, %jit3A_19 : i32
    %rem3A_23 = arith.remsi %add3A, %select_n3A_22 : i32
    %ne3A_24 = arith.constant 0 : i32
    %ne3A_25 = arith.cmpi ne, %rem3A_23, %ne3A_24 : i32
    %lt3A = arith.constant 0 : i32
    %lt3A_26 = arith.cmpi slt, %rem3A_23, %lt3A : i32
    %lt3A_27 = arith.constant 0 : i32
    %lt3A_28 = arith.cmpi slt, %select_n3A_22, %lt3A_27 : i32
    %ne3A_29 = arith.xori %lt3A_26, %lt3A_28 : i1
    %and3A_30 = arith.andi %ne3A_29, %ne3A_25 : i1
    %add3A_31 = arith.addi %rem3A_23, %select_n3A_22 : i32
    %select_n3A_32 = arith.select %and3A_30, %add3A_31, %rem3A_23 : i32
    %mul3A_33 = arith.constant 1024 : i32
    %mul3A_34 = arith.muli %select_n3A_32, %mul3A_33 : i32
    "tpu.region"() ({
      %run_scoped3A = tpu.sem_alloc : memref<!tpu.dma_semaphore, #tpu.memory_space<semaphore_mem>>
      %dma_start3A_222 = tpu.memref_slice %arg2[%select_n3A, %mul3A_34] : memref<4x8192xi32, #tpu.memory_space<hbm>> -> memref<1x1024xi32, #tpu.memory_space<hbm>>
      %dma_start3A_223 = tpu.memref_squeeze %dma_start3A_222 : memref<1x1024xi32, #tpu.memory_space<hbm>> -> memref<1024xi32, #tpu.memory_space<hbm>>
      %dma_start3A_224 = tpu.memref_slice %arg2[%select_n3A, %mul3A_34] : memref<4x8192xi32, #tpu.memory_space<hbm>> -> memref<1x1024xi32, #tpu.memory_space<hbm>>
      %dma_start3A_225 = tpu.memref_squeeze %dma_start3A_224 : memref<1x1024xi32, #tpu.memory_space<hbm>> -> memref<1024xi32, #tpu.memory_space<hbm>>
      tpu.enqueue_dma source(%dma_start3A_225 : memref<1024xi32, #tpu.memory_space<hbm>>) target(%arg5 : memref<1024xi32, #tpu.memory_space<vmem>>) target_semaphore(%run_scoped3A : memref<!tpu.dma_semaphore, #tpu.memory_space<semaphore_mem>>)
      %dma_wait3A_226 = tpu.memref_slice %arg2[%select_n3A, %mul3A_34] : memref<4x8192xi32, #tpu.memory_space<hbm>> -> memref<1x1024xi32, #tpu.memory_space<hbm>>
      %dma_wait3A_227 = tpu.memref_squeeze %dma_wait3A_226 : memref<1x1024xi32, #tpu.memory_space<hbm>> -> memref<1024xi32, #tpu.memory_space<hbm>>
      %dma_wait3A_228 = tpu.memref_slice %arg2[%select_n3A, %mul3A_34] : memref<4x8192xi32, #tpu.memory_space<hbm>> -> memref<1x1024xi32, #tpu.memory_space<hbm>>
      %dma_wait3A_229 = tpu.memref_squeeze %dma_wait3A_228 : memref<1x1024xi32, #tpu.memory_space<hbm>> -> memref<1024xi32, #tpu.memory_space<hbm>>
      tpu.wait_dma2 semaphore(%run_scoped3A : memref<!tpu.dma_semaphore, #tpu.memory_space<semaphore_mem>>) src(%dma_wait3A_229 : memref<1024xi32, #tpu.memory_space<hbm>>) dst(%arg5 : memref<1024xi32, #tpu.memory_space<vmem>>)
      tpu.yield
    }) : () -> ()
    %dma_start3A = arith.constant 0 : i32
    %dma_start3A_35 = tpu.memref_slice %arg5[%dma_start3A] : memref<1024xi32, #tpu.memory_space<vmem>> -> memref<16xi32, #tpu.memory_space<vmem>>
    %dma_start3A_36 = arith.constant 0 : i32
    %dma_start3A_37 = arith.constant 0 : i32
    %dma_start3A_38 = tpu.memref_slice %arg3[%dma_start3A_36, %dma_start3A_37] : memref<8192x1024xf32, #tpu.memory_space<hbm>> -> memref<8192x1024xf32, #tpu.memory_space<hbm>>
    tpu.enqueue_indirect_dma source(%dma_start3A_38 : memref<8192x1024xf32, #tpu.memory_space<hbm>>) target(%arg6 : memref<16x1024xf32, #tpu.memory_space<vmem>>) offsets(%dma_start3A_35 : memref<16xi32, #tpu.memory_space<vmem>>) semaphore(%arg10 : memref<!tpu.dma_semaphore, #tpu.memory_space<semaphore_mem>>)
    %dma_start3A_39 = arith.constant 16 : i32
    %dma_start3A_40 = tpu.memref_slice %arg5[%dma_start3A_39] : memref<1024xi32, #tpu.memory_space<vmem>> -> memref<16xi32, #tpu.memory_space<vmem>>
    %dma_start3A_41 = arith.constant 0 : i32
    %dma_start3A_42 = arith.constant 0 : i32
    %dma_start3A_43 = tpu.memref_slice %arg3[%dma_start3A_41, %dma_start3A_42] : memref<8192x1024xf32, #tpu.memory_space<hbm>> -> memref<8192x1024xf32, #tpu.memory_space<hbm>>
    tpu.enqueue_indirect_dma source(%dma_start3A_43 : memref<8192x1024xf32, #tpu.memory_space<hbm>>) target(%arg7 : memref<16x1024xf32, #tpu.memory_space<vmem>>) offsets(%dma_start3A_40 : memref<16xi32, #tpu.memory_space<vmem>>) semaphore(%arg11 : memref<!tpu.dma_semaphore, #tpu.memory_space<semaphore_mem>>)
    %dma_wait3A = arith.constant 0 : i32
    %dma_wait3A_44 = arith.constant 0 : i32
    %dma_wait3A_45 = tpu.memref_slice %arg3[%dma_wait3A, %dma_wait3A_44] : memref<8192x1024xf32, #tpu.memory_space<hbm>> -> memref<16x1024xf32, #tpu.memory_space<hbm>>
    %dma_wait3A_46 = arith.constant 0 : i32
    %dma_wait3A_47 = arith.constant 0 : i32
    %dma_wait3A_48 = tpu.memref_slice %arg3[%dma_wait3A_46, %dma_wait3A_47] : memref<8192x1024xf32, #tpu.memory_space<hbm>> -> memref<16x1024xf32, #tpu.memory_space<hbm>>
    tpu.wait_dma2 semaphore(%arg10 : memref<!tpu.dma_semaphore, #tpu.memory_space<semaphore_mem>>) src(%dma_wait3A_48 : memref<16x1024xf32, #tpu.memory_space<hbm>>) dst(%arg6 : memref<16x1024xf32, #tpu.memory_space<vmem>>)
    %add3A_49 = arith.constant 0 : i32
    %add3A_50 = arith.addi %mul3A_2, %add3A_49 : i32
    %dma_start3A_51 = arith.constant 0 : i32
    %dma_start3A_52 = tpu.memref_slice %arg4[%add3A_50, %dma_start3A_51] : memref<32768x1024xf32, #tpu.memory_space<hbm>> -> memref<16x1024xf32, #tpu.memory_space<hbm>>
    %dma_start3A_53 = arith.constant 0 : i32
    %dma_start3A_54 = tpu.memref_slice %arg4[%add3A_50, %dma_start3A_53] : memref<32768x1024xf32, #tpu.memory_space<hbm>> -> memref<16x1024xf32, #tpu.memory_space<hbm>>
    tpu.enqueue_dma source(%arg6 : memref<16x1024xf32, #tpu.memory_space<vmem>>) target(%dma_start3A_54 : memref<16x1024xf32, #tpu.memory_space<hbm>>) target_semaphore(%arg14 : memref<!tpu.dma_semaphore, #tpu.memory_space<semaphore_mem>>)
    %dma_start3A_55 = arith.constant 32 : i32
    %dma_start3A_56 = tpu.memref_slice %arg5[%dma_start3A_55] : memref<1024xi32, #tpu.memory_space<vmem>> -> memref<16xi32, #tpu.memory_space<vmem>>
    %dma_start3A_57 = arith.constant 0 : i32
    %dma_start3A_58 = arith.constant 0 : i32
    %dma_start3A_59 = tpu.memref_slice %arg3[%dma_start3A_57, %dma_start3A_58] : memref<8192x1024xf32, #tpu.memory_space<hbm>> -> memref<8192x1024xf32, #tpu.memory_space<hbm>>
    tpu.enqueue_indirect_dma source(%dma_start3A_59 : memref<8192x1024xf32, #tpu.memory_space<hbm>>) target(%arg8 : memref<16x1024xf32, #tpu.memory_space<vmem>>) offsets(%dma_start3A_56 : memref<16xi32, #tpu.memory_space<vmem>>) semaphore(%arg12 : memref<!tpu.dma_semaphore, #tpu.memory_space<semaphore_mem>>)
    %dma_wait3A_60 = arith.constant 0 : i32
    %dma_wait3A_61 = arith.constant 0 : i32
    %dma_wait3A_62 = tpu.memref_slice %arg3[%dma_wait3A_60, %dma_wait3A_61] : memref<8192x1024xf32, #tpu.memory_space<hbm>> -> memref<16x1024xf32, #tpu.memory_space<hbm>>
    %dma_wait3A_63 = arith.constant 0 : i32
    %dma_wait3A_64 = arith.constant 0 : i32
    %dma_wait3A_65 = tpu.memref_slice %arg3[%dma_wait3A_63, %dma_wait3A_64] : memref<8192x1024xf32, #tpu.memory_space<hbm>> -> memref<16x1024xf32, #tpu.memory_space<hbm>>
    tpu.wait_dma2 semaphore(%arg11 : memref<!tpu.dma_semaphore, #tpu.memory_space<semaphore_mem>>) src(%dma_wait3A_65 : memref<16x1024xf32, #tpu.memory_space<hbm>>) dst(%arg7 : memref<16x1024xf32, #tpu.memory_space<vmem>>)
    %add3A_66 = arith.constant 16 : i32
    %add3A_67 = arith.addi %mul3A_2, %add3A_66 : i32
    %dma_start3A_68 = arith.constant 0 : i32
    %dma_start3A_69 = tpu.memref_slice %arg4[%add3A_67, %dma_start3A_68] : memref<32768x1024xf32, #tpu.memory_space<hbm>> -> memref<16x1024xf32, #tpu.memory_space<hbm>>
    %dma_start3A_70 = arith.constant 0 : i32
    %dma_start3A_71 = tpu.memref_slice %arg4[%add3A_67, %dma_start3A_70] : memref<32768x1024xf32, #tpu.memory_space<hbm>> -> memref<16x1024xf32, #tpu.memory_space<hbm>>
    tpu.enqueue_dma source(%arg7 : memref<16x1024xf32, #tpu.memory_space<vmem>>) target(%dma_start3A_71 : memref<16x1024xf32, #tpu.memory_space<hbm>>) target_semaphore(%arg15 : memref<!tpu.dma_semaphore, #tpu.memory_space<semaphore_mem>>)
    %dma_start3A_72 = arith.constant 48 : i32
    %dma_start3A_73 = tpu.memref_slice %arg5[%dma_start3A_72] : memref<1024xi32, #tpu.memory_space<vmem>> -> memref<16xi32, #tpu.memory_space<vmem>>
    %dma_start3A_74 = arith.constant 0 : i32
    %dma_start3A_75 = arith.constant 0 : i32
    %dma_start3A_76 = tpu.memref_slice %arg3[%dma_start3A_74, %dma_start3A_75] : memref<8192x1024xf32, #tpu.memory_space<hbm>> -> memref<8192x1024xf32, #tpu.memory_space<hbm>>
    tpu.enqueue_indirect_dma source(%dma_start3A_76 : memref<8192x1024xf32, #tpu.memory_space<hbm>>) target(%arg9 : memref<16x1024xf32, #tpu.memory_space<vmem>>) offsets(%dma_start3A_73 : memref<16xi32, #tpu.memory_space<vmem>>) semaphore(%arg13 : memref<!tpu.dma_semaphore, #tpu.memory_space<semaphore_mem>>)
    %dma_wait3A_77 = arith.constant 0 : i32
    %dma_wait3A_78 = arith.constant 0 : i32
    %dma_wait3A_79 = tpu.memref_slice %arg3[%dma_wait3A_77, %dma_wait3A_78] : memref<8192x1024xf32, #tpu.memory_space<hbm>> -> memref<16x1024xf32, #tpu.memory_space<hbm>>
    %dma_wait3A_80 = arith.constant 0 : i32
    %dma_wait3A_81 = arith.constant 0 : i32
    %dma_wait3A_82 = tpu.memref_slice %arg3[%dma_wait3A_80, %dma_wait3A_81] : memref<8192x1024xf32, #tpu.memory_space<hbm>> -> memref<16x1024xf32, #tpu.memory_space<hbm>>
    tpu.wait_dma2 semaphore(%arg12 : memref<!tpu.dma_semaphore, #tpu.memory_space<semaphore_mem>>) src(%dma_wait3A_82 : memref<16x1024xf32, #tpu.memory_space<hbm>>) dst(%arg8 : memref<16x1024xf32, #tpu.memory_space<vmem>>)
    %add3A_83 = arith.constant 32 : i32
    %add3A_84 = arith.addi %mul3A_2, %add3A_83 : i32
    %dma_start3A_85 = arith.constant 0 : i32
    %dma_start3A_86 = tpu.memref_slice %arg4[%add3A_84, %dma_start3A_85] : memref<32768x1024xf32, #tpu.memory_space<hbm>> -> memref<16x1024xf32, #tpu.memory_space<hbm>>
    %dma_start3A_87 = arith.constant 0 : i32
    %dma_start3A_88 = tpu.memref_slice %arg4[%add3A_84, %dma_start3A_87] : memref<32768x1024xf32, #tpu.memory_space<hbm>> -> memref<16x1024xf32, #tpu.memory_space<hbm>>
    tpu.enqueue_dma source(%arg8 : memref<16x1024xf32, #tpu.memory_space<vmem>>) target(%dma_start3A_88 : memref<16x1024xf32, #tpu.memory_space<hbm>>) target_semaphore(%arg16 : memref<!tpu.dma_semaphore, #tpu.memory_space<semaphore_mem>>)
    %dma_wait3A_89 = arith.constant 0 : i32
    %dma_wait3A_90 = arith.constant 0 : i32
    %dma_wait3A_91 = tpu.memref_slice %arg4[%dma_wait3A_89, %dma_wait3A_90] : memref<32768x1024xf32, #tpu.memory_space<hbm>> -> memref<16x1024xf32, #tpu.memory_space<hbm>>
    %dma_wait3A_92 = arith.constant 0 : i32
    %dma_wait3A_93 = arith.constant 0 : i32
    %dma_wait3A_94 = tpu.memref_slice %arg4[%dma_wait3A_92, %dma_wait3A_93] : memref<32768x1024xf32, #tpu.memory_space<hbm>> -> memref<16x1024xf32, #tpu.memory_space<hbm>>
    tpu.wait_dma2 semaphore(%arg14 : memref<!tpu.dma_semaphore, #tpu.memory_space<semaphore_mem>>) src(%arg6 : memref<16x1024xf32, #tpu.memory_space<vmem>>) dst(%dma_wait3A_94 : memref<16x1024xf32, #tpu.memory_space<hbm>>)
    %dma_start3A_95 = arith.constant 64 : i32
    %dma_start3A_96 = tpu.memref_slice %arg5[%dma_start3A_95] : memref<1024xi32, #tpu.memory_space<vmem>> -> memref<16xi32, #tpu.memory_space<vmem>>
    %dma_start3A_97 = arith.constant 0 : i32
    %dma_start3A_98 = arith.constant 0 : i32
    %dma_start3A_99 = tpu.memref_slice %arg3[%dma_start3A_97, %dma_start3A_98] : memref<8192x1024xf32, #tpu.memory_space<hbm>> -> memref<8192x1024xf32, #tpu.memory_space<hbm>>
    tpu.enqueue_indirect_dma source(%dma_start3A_99 : memref<8192x1024xf32, #tpu.memory_space<hbm>>) target(%arg6 : memref<16x1024xf32, #tpu.memory_space<vmem>>) offsets(%dma_start3A_96 : memref<16xi32, #tpu.memory_space<vmem>>) semaphore(%arg10 : memref<!tpu.dma_semaphore, #tpu.memory_space<semaphore_mem>>)
    %dma_wait3A_100 = arith.constant 0 : i32
    %dma_wait3A_101 = arith.constant 0 : i32
    %dma_wait3A_102 = tpu.memref_slice %arg3[%dma_wait3A_100, %dma_wait3A_101] : memref<8192x1024xf32, #tpu.memory_space<hbm>> -> memref<16x1024xf32, #tpu.memory_space<hbm>>
    %dma_wait3A_103 = arith.constant 0 : i32
    %dma_wait3A_104 = arith.constant 0 : i32
    %dma_wait3A_105 = tpu.memref_slice %arg3[%dma_wait3A_103, %dma_wait3A_104] : memref<8192x1024xf32, #tpu.memory_space<hbm>> -> memref<16x1024xf32, #tpu.memory_space<hbm>>
    tpu.wait_dma2 semaphore(%arg13 : memref<!tpu.dma_semaphore, #tpu.memory_space<semaphore_mem>>) src(%dma_wait3A_105 : memref<16x1024xf32, #tpu.memory_space<hbm>>) dst(%arg9 : memref<16x1024xf32, #tpu.memory_space<vmem>>)
    %add3A_106 = arith.constant 48 : i32
    %add3A_107 = arith.addi %mul3A_2, %add3A_106 : i32
    %dma_start3A_108 = arith.constant 0 : i32
    %dma_start3A_109 = tpu.memref_slice %arg4[%add3A_107, %dma_start3A_108] : memref<32768x1024xf32, #tpu.memory_space<hbm>> -> memref<16x1024xf32, #tpu.memory_space<hbm>>
    %dma_start3A_110 = arith.constant 0 : i32
    %dma_start3A_111 = tpu.memref_slice %arg4[%add3A_107, %dma_start3A_110] : memref<32768x1024xf32, #tpu.memory_space<hbm>> -> memref<16x1024xf32, #tpu.memory_space<hbm>>
    tpu.enqueue_dma source(%arg9 : memref<16x1024xf32, #tpu.memory_space<vmem>>) target(%dma_start3A_111 : memref<16x1024xf32, #tpu.memory_space<hbm>>) target_semaphore(%arg17 : memref<!tpu.dma_semaphore, #tpu.memory_space<semaphore_mem>>)
    %dma_wait3A_112 = arith.constant 0 : i32
    %dma_wait3A_113 = arith.constant 0 : i32
    %dma_wait3A_114 = tpu.memref_slice %arg4[%dma_wait3A_112, %dma_wait3A_113] : memref<32768x1024xf32, #tpu.memory_space<hbm>> -> memref<16x1024xf32, #tpu.memory_space<hbm>>
    %dma_wait3A_115 = arith.constant 0 : i32
    %dma_wait3A_116 = arith.constant 0 : i32
    %dma_wait3A_117 = tpu.memref_slice %arg4[%dma_wait3A_115, %dma_wait3A_116] : memref<32768x1024xf32, #tpu.memory_space<hbm>> -> memref<16x1024xf32, #tpu.memory_space<hbm>>
    tpu.wait_dma2 semaphore(%arg15 : memref<!tpu.dma_semaphore, #tpu.memory_space<semaphore_mem>>) src(%arg7 : memref<16x1024xf32, #tpu.memory_space<vmem>>) dst(%dma_wait3A_117 : memref<16x1024xf32, #tpu.memory_space<hbm>>)
    %dma_start3A_118 = arith.constant 80 : i32
    %dma_start3A_119 = tpu.memref_slice %arg5[%dma_start3A_118] : memref<1024xi32, #tpu.memory_space<vmem>> -> memref<16xi32, #tpu.memory_space<vmem>>
    %dma_start3A_120 = arith.constant 0 : i32
    %dma_start3A_121 = arith.constant 0 : i32
    %dma_start3A_122 = tpu.memref_slice %arg3[%dma_start3A_120, %dma_start3A_121] : memref<8192x1024xf32, #tpu.memory_space<hbm>> -> memref<8192x1024xf32, #tpu.memory_space<hbm>>
    tpu.enqueue_indirect_dma source(%dma_start3A_122 : memref<8192x1024xf32, #tpu.memory_space<hbm>>) target(%arg7 : memref<16x1024xf32, #tpu.memory_space<vmem>>) offsets(%dma_start3A_119 : memref<16xi32, #tpu.memory_space<vmem>>) semaphore(%arg11 : memref<!tpu.dma_semaphore, #tpu.memory_space<semaphore_mem>>)
    %scan3A = arith.constant 0 : i32
    %scan3A_123 = arith.constant 1 : i32
    %scan3A_124 = arith.constant 14 : i32
    %scan3A_125 = arith.addi %scan3A_123, %scan3A_124 : i32
    %scan3A_126 = arith.constant 1 : i32
    scf.for %scan3A_222 = %scan3A_123 to %scan3A_125 step %scan3A_126  : i32 {
      %mul3A_223 = arith.constant 4 : i32
      %mul3A_224 = arith.muli %mul3A_223, %scan3A_222 : i32
      %add3A_225 = arith.constant 0 : i32
      %add3A_226 = arith.addi %mul3A_224, %add3A_225 : i32
      %dma_wait3A_227 = arith.constant 0 : i32
      %dma_wait3A_228 = arith.constant 0 : i32
      %dma_wait3A_229 = tpu.memref_slice %arg3[%dma_wait3A_227, %dma_wait3A_228] : memref<8192x1024xf32, #tpu.memory_space<hbm>> -> memref<16x1024xf32, #tpu.memory_space<hbm>>
      %dma_wait3A_230 = arith.constant 0 : i32
      %dma_wait3A_231 = arith.constant 0 : i32
      %dma_wait3A_232 = tpu.memref_slice %arg3[%dma_wait3A_230, %dma_wait3A_231] : memref<8192x1024xf32, #tpu.memory_space<hbm>> -> memref<16x1024xf32, #tpu.memory_space<hbm>>
      tpu.wait_dma2 semaphore(%arg10 : memref<!tpu.dma_semaphore, #tpu.memory_space<semaphore_mem>>) src(%dma_wait3A_232 : memref<16x1024xf32, #tpu.memory_space<hbm>>) dst(%arg6 : memref<16x1024xf32, #tpu.memory_space<vmem>>)
      %mul3A_233 = arith.constant 16 : i32
      %mul3A_234 = arith.muli %add3A_226, %mul3A_233 : i32
      %add3A_235 = arith.addi %mul3A_2, %mul3A_234 : i32
      %dma_start3A_236 = arith.constant 0 : i32
      %dma_start3A_237 = tpu.memref_slice %arg4[%add3A_235, %dma_start3A_236] : memref<32768x1024xf32, #tpu.memory_space<hbm>> -> memref<16x1024xf32, #tpu.memory_space<hbm>>
      %dma_start3A_238 = arith.constant 0 : i32
      %dma_start3A_239 = tpu.memref_slice %arg4[%add3A_235, %dma_start3A_238] : memref<32768x1024xf32, #tpu.memory_space<hbm>> -> memref<16x1024xf32, #tpu.memory_space<hbm>>
      tpu.enqueue_dma source(%arg6 : memref<16x1024xf32, #tpu.memory_space<vmem>>) target(%dma_start3A_239 : memref<16x1024xf32, #tpu.memory_space<hbm>>) target_semaphore(%arg14 : memref<!tpu.dma_semaphore, #tpu.memory_space<semaphore_mem>>)
      %dma_wait3A_240 = arith.constant 0 : i32
      %dma_wait3A_241 = arith.constant 0 : i32
      %dma_wait3A_242 = tpu.memref_slice %arg4[%dma_wait3A_240, %dma_wait3A_241] : memref<32768x1024xf32, #tpu.memory_space<hbm>> -> memref<16x1024xf32, #tpu.memory_space<hbm>>
      %dma_wait3A_243 = arith.constant 0 : i32
      %dma_wait3A_244 = arith.constant 0 : i32
      %dma_wait3A_245 = tpu.memref_slice %arg4[%dma_wait3A_243, %dma_wait3A_244] : memref<32768x1024xf32, #tpu.memory_space<hbm>> -> memref<16x1024xf32, #tpu.memory_space<hbm>>
      tpu.wait_dma2 semaphore(%arg16 : memref<!tpu.dma_semaphore, #tpu.memory_space<semaphore_mem>>) src(%arg8 : memref<16x1024xf32, #tpu.memory_space<vmem>>) dst(%dma_wait3A_245 : memref<16x1024xf32, #tpu.memory_space<hbm>>)
      %add3A_246 = arith.constant 2 : i32
      %add3A_247 = arith.addi %add3A_226, %add3A_246 : i32
      %mul3A_248 = arith.constant 16 : i32
      %mul3A_249 = arith.muli %add3A_247, %mul3A_248 : i32
      %dma_start3A_250 = tpu.memref_slice %arg5[%mul3A_249] : memref<1024xi32, #tpu.memory_space<vmem>> -> memref<16xi32, #tpu.memory_space<vmem>>
      %dma_start3A_251 = arith.constant 0 : i32
      %dma_start3A_252 = arith.constant 0 : i32
      %dma_start3A_253 = tpu.memref_slice %arg3[%dma_start3A_251, %dma_start3A_252] : memref<8192x1024xf32, #tpu.memory_space<hbm>> -> memref<8192x1024xf32, #tpu.memory_space<hbm>>
      tpu.enqueue_indirect_dma source(%dma_start3A_253 : memref<8192x1024xf32, #tpu.memory_space<hbm>>) target(%arg8 : memref<16x1024xf32, #tpu.memory_space<vmem>>) offsets(%dma_start3A_250 : memref<16xi32, #tpu.memory_space<vmem>>) semaphore(%arg12 : memref<!tpu.dma_semaphore, #tpu.memory_space<semaphore_mem>>)
      %mul3A_254 = arith.constant 4 : i32
      %mul3A_255 = arith.muli %mul3A_254, %scan3A_222 : i32
      %add3A_256 = arith.constant 1 : i32
      %add3A_257 = arith.addi %mul3A_255, %add3A_256 : i32
      %dma_wait3A_258 = arith.constant 0 : i32
      %dma_wait3A_259 = arith.constant 0 : i32
      %dma_wait3A_260 = tpu.memref_slice %arg3[%dma_wait3A_258, %dma_wait3A_259] : memref<8192x1024xf32, #tpu.memory_space<hbm>> -> memref<16x1024xf32, #tpu.memory_space<hbm>>
      %dma_wait3A_261 = arith.constant 0 : i32
      %dma_wait3A_262 = arith.constant 0 : i32
      %dma_wait3A_263 = tpu.memref_slice %arg3[%dma_wait3A_261, %dma_wait3A_262] : memref<8192x1024xf32, #tpu.memory_space<hbm>> -> memref<16x1024xf32, #tpu.memory_space<hbm>>
      tpu.wait_dma2 semaphore(%arg11 : memref<!tpu.dma_semaphore, #tpu.memory_space<semaphore_mem>>) src(%dma_wait3A_263 : memref<16x1024xf32, #tpu.memory_space<hbm>>) dst(%arg7 : memref<16x1024xf32, #tpu.memory_space<vmem>>)
      %mul3A_264 = arith.constant 16 : i32
      %mul3A_265 = arith.muli %add3A_257, %mul3A_264 : i32
      %add3A_266 = arith.addi %mul3A_2, %mul3A_265 : i32
      %dma_start3A_267 = arith.constant 0 : i32
      %dma_start3A_268 = tpu.memref_slice %arg4[%add3A_266, %dma_start3A_267] : memref<32768x1024xf32, #tpu.memory_space<hbm>> -> memref<16x1024xf32, #tpu.memory_space<hbm>>
      %dma_start3A_269 = arith.constant 0 : i32
      %dma_start3A_270 = tpu.memref_slice %arg4[%add3A_266, %dma_start3A_269] : memref<32768x1024xf32, #tpu.memory_space<hbm>> -> memref<16x1024xf32, #tpu.memory_space<hbm>>
      tpu.enqueue_dma source(%arg7 : memref<16x1024xf32, #tpu.memory_space<vmem>>) target(%dma_start3A_270 : memref<16x1024xf32, #tpu.memory_space<hbm>>) target_semaphore(%arg15 : memref<!tpu.dma_semaphore, #tpu.memory_space<semaphore_mem>>)
      %dma_wait3A_271 = arith.constant 0 : i32
      %dma_wait3A_272 = arith.constant 0 : i32
      %dma_wait3A_273 = tpu.memref_slice %arg4[%dma_wait3A_271, %dma_wait3A_272] : memref<32768x1024xf32, #tpu.memory_space<hbm>> -> memref<16x1024xf32, #tpu.memory_space<hbm>>
      %dma_wait3A_274 = arith.constant 0 : i32
      %dma_wait3A_275 = arith.constant 0 : i32
      %dma_wait3A_276 = tpu.memref_slice %arg4[%dma_wait3A_274, %dma_wait3A_275] : memref<32768x1024xf32, #tpu.memory_space<hbm>> -> memref<16x1024xf32, #tpu.memory_space<hbm>>
      tpu.wait_dma2 semaphore(%arg17 : memref<!tpu.dma_semaphore, #tpu.memory_space<semaphore_mem>>) src(%arg9 : memref<16x1024xf32, #tpu.memory_space<vmem>>) dst(%dma_wait3A_276 : memref<16x1024xf32, #tpu.memory_space<hbm>>)
      %add3A_277 = arith.constant 2 : i32
      %add3A_278 = arith.addi %add3A_257, %add3A_277 : i32
      %mul3A_279 = arith.constant 16 : i32
      %mul3A_280 = arith.muli %add3A_278, %mul3A_279 : i32
      %dma_start3A_281 = tpu.memref_slice %arg5[%mul3A_280] : memref<1024xi32, #tpu.memory_space<vmem>> -> memref<16xi32, #tpu.memory_space<vmem>>
      %dma_start3A_282 = arith.constant 0 : i32
      %dma_start3A_283 = arith.constant 0 : i32
      %dma_start3A_284 = tpu.memref_slice %arg3[%dma_start3A_282, %dma_start3A_283] : memref<8192x1024xf32, #tpu.memory_space<hbm>> -> memref<8192x1024xf32, #tpu.memory_space<hbm>>
      tpu.enqueue_indirect_dma source(%dma_start3A_284 : memref<8192x1024xf32, #tpu.memory_space<hbm>>) target(%arg9 : memref<16x1024xf32, #tpu.memory_space<vmem>>) offsets(%dma_start3A_281 : memref<16xi32, #tpu.memory_space<vmem>>) semaphore(%arg13 : memref<!tpu.dma_semaphore, #tpu.memory_space<semaphore_mem>>)
      %mul3A_285 = arith.constant 4 : i32
      %mul3A_286 = arith.muli %mul3A_285, %scan3A_222 : i32
      %add3A_287 = arith.constant 2 : i32
      %add3A_288 = arith.addi %mul3A_286, %add3A_287 : i32
      %dma_wait3A_289 = arith.constant 0 : i32
      %dma_wait3A_290 = arith.constant 0 : i32
      %dma_wait3A_291 = tpu.memref_slice %arg3[%dma_wait3A_289, %dma_wait3A_290] : memref<8192x1024xf32, #tpu.memory_space<hbm>> -> memref<16x1024xf32, #tpu.memory_space<hbm>>
      %dma_wait3A_292 = arith.constant 0 : i32
      %dma_wait3A_293 = arith.constant 0 : i32
      %dma_wait3A_294 = tpu.memref_slice %arg3[%dma_wait3A_292, %dma_wait3A_293] : memref<8192x1024xf32, #tpu.memory_space<hbm>> -> memref<16x1024xf32, #tpu.memory_space<hbm>>
      tpu.wait_dma2 semaphore(%arg12 : memref<!tpu.dma_semaphore, #tpu.memory_space<semaphore_mem>>) src(%dma_wait3A_294 : memref<16x1024xf32, #tpu.memory_space<hbm>>) dst(%arg8 : memref<16x1024xf32, #tpu.memory_space<vmem>>)
      %mul3A_295 = arith.constant 16 : i32
      %mul3A_296 = arith.muli %add3A_288, %mul3A_295 : i32
      %add3A_297 = arith.addi %mul3A_2, %mul3A_296 : i32
      %dma_start3A_298 = arith.constant 0 : i32
      %dma_start3A_299 = tpu.memref_slice %arg4[%add3A_297, %dma_start3A_298] : memref<32768x1024xf32, #tpu.memory_space<hbm>> -> memref<16x1024xf32, #tpu.memory_space<hbm>>
      %dma_start3A_300 = arith.constant 0 : i32
      %dma_start3A_301 = tpu.memref_slice %arg4[%add3A_297, %dma_start3A_300] : memref<32768x1024xf32, #tpu.memory_space<hbm>> -> memref<16x1024xf32, #tpu.memory_space<hbm>>
      tpu.enqueue_dma source(%arg8 : memref<16x1024xf32, #tpu.memory_space<vmem>>) target(%dma_start3A_301 : memref<16x1024xf32, #tpu.memory_space<hbm>>) target_semaphore(%arg16 : memref<!tpu.dma_semaphore, #tpu.memory_space<semaphore_mem>>)
      %dma_wait3A_302 = arith.constant 0 : i32
      %dma_wait3A_303 = arith.constant 0 : i32
      %dma_wait3A_304 = tpu.memref_slice %arg4[%dma_wait3A_302, %dma_wait3A_303] : memref<32768x1024xf32, #tpu.memory_space<hbm>> -> memref<16x1024xf32, #tpu.memory_space<hbm>>
      %dma_wait3A_305 = arith.constant 0 : i32
      %dma_wait3A_306 = arith.constant 0 : i32
      %dma_wait3A_307 = tpu.memref_slice %arg4[%dma_wait3A_305, %dma_wait3A_306] : memref<32768x1024xf32, #tpu.memory_space<hbm>> -> memref<16x1024xf32, #tpu.memory_space<hbm>>
      tpu.wait_dma2 semaphore(%arg14 : memref<!tpu.dma_semaphore, #tpu.memory_space<semaphore_mem>>) src(%arg6 : memref<16x1024xf32, #tpu.memory_space<vmem>>) dst(%dma_wait3A_307 : memref<16x1024xf32, #tpu.memory_space<hbm>>)
      %add3A_308 = arith.constant 2 : i32
      %add3A_309 = arith.addi %add3A_288, %add3A_308 : i32
      %mul3A_310 = arith.constant 16 : i32
      %mul3A_311 = arith.muli %add3A_309, %mul3A_310 : i32
      %dma_start3A_312 = tpu.memref_slice %arg5[%mul3A_311] : memref<1024xi32, #tpu.memory_space<vmem>> -> memref<16xi32, #tpu.memory_space<vmem>>
      %dma_start3A_313 = arith.constant 0 : i32
      %dma_start3A_314 = arith.constant 0 : i32
      %dma_start3A_315 = tpu.memref_slice %arg3[%dma_start3A_313, %dma_start3A_314] : memref<8192x1024xf32, #tpu.memory_space<hbm>> -> memref<8192x1024xf32, #tpu.memory_space<hbm>>
      tpu.enqueue_indirect_dma source(%dma_start3A_315 : memref<8192x1024xf32, #tpu.memory_space<hbm>>) target(%arg6 : memref<16x1024xf32, #tpu.memory_space<vmem>>) offsets(%dma_start3A_312 : memref<16xi32, #tpu.memory_space<vmem>>) semaphore(%arg10 : memref<!tpu.dma_semaphore, #tpu.memory_space<semaphore_mem>>)
      %mul3A_316 = arith.constant 4 : i32
      %mul3A_317 = arith.muli %mul3A_316, %scan3A_222 : i32
      %add3A_318 = arith.constant 3 : i32
      %add3A_319 = arith.addi %mul3A_317, %add3A_318 : i32
      %dma_wait3A_320 = arith.constant 0 : i32
      %dma_wait3A_321 = arith.constant 0 : i32
      %dma_wait3A_322 = tpu.memref_slice %arg3[%dma_wait3A_320, %dma_wait3A_321] : memref<8192x1024xf32, #tpu.memory_space<hbm>> -> memref<16x1024xf32, #tpu.memory_space<hbm>>
      %dma_wait3A_323 = arith.constant 0 : i32
      %dma_wait3A_324 = arith.constant 0 : i32
      %dma_wait3A_325 = tpu.memref_slice %arg3[%dma_wait3A_323, %dma_wait3A_324] : memref<8192x1024xf32, #tpu.memory_space<hbm>> -> memref<16x1024xf32, #tpu.memory_space<hbm>>
      tpu.wait_dma2 semaphore(%arg13 : memref<!tpu.dma_semaphore, #tpu.memory_space<semaphore_mem>>) src(%dma_wait3A_325 : memref<16x1024xf32, #tpu.memory_space<hbm>>) dst(%arg9 : memref<16x1024xf32, #tpu.memory_space<vmem>>)
      %mul3A_326 = arith.constant 16 : i32
      %mul3A_327 = arith.muli %add3A_319, %mul3A_326 : i32
      %add3A_328 = arith.addi %mul3A_2, %mul3A_327 : i32
      %dma_start3A_329 = arith.constant 0 : i32
      %dma_start3A_330 = tpu.memref_slice %arg4[%add3A_328, %dma_start3A_329] : memref<32768x1024xf32, #tpu.memory_space<hbm>> -> memref<16x1024xf32, #tpu.memory_space<hbm>>
      %dma_start3A_331 = arith.constant 0 : i32
      %dma_start3A_332 = tpu.memref_slice %arg4[%add3A_328, %dma_start3A_331] : memref<32768x1024xf32, #tpu.memory_space<hbm>> -> memref<16x1024xf32, #tpu.memory_space<hbm>>
      tpu.enqueue_dma source(%arg9 : memref<16x1024xf32, #tpu.memory_space<vmem>>) target(%dma_start3A_332 : memref<16x1024xf32, #tpu.memory_space<hbm>>) target_semaphore(%arg17 : memref<!tpu.dma_semaphore, #tpu.memory_space<semaphore_mem>>)
      %dma_wait3A_333 = arith.constant 0 : i32
      %dma_wait3A_334 = arith.constant 0 : i32
      %dma_wait3A_335 = tpu.memref_slice %arg4[%dma_wait3A_333, %dma_wait3A_334] : memref<32768x1024xf32, #tpu.memory_space<hbm>> -> memref<16x1024xf32, #tpu.memory_space<hbm>>
      %dma_wait3A_336 = arith.constant 0 : i32
      %dma_wait3A_337 = arith.constant 0 : i32
      %dma_wait3A_338 = tpu.memref_slice %arg4[%dma_wait3A_336, %dma_wait3A_337] : memref<32768x1024xf32, #tpu.memory_space<hbm>> -> memref<16x1024xf32, #tpu.memory_space<hbm>>
      tpu.wait_dma2 semaphore(%arg15 : memref<!tpu.dma_semaphore, #tpu.memory_space<semaphore_mem>>) src(%arg7 : memref<16x1024xf32, #tpu.memory_space<vmem>>) dst(%dma_wait3A_338 : memref<16x1024xf32, #tpu.memory_space<hbm>>)
      %add3A_339 = arith.constant 2 : i32
      %add3A_340 = arith.addi %add3A_319, %add3A_339 : i32
      %mul3A_341 = arith.constant 16 : i32
      %mul3A_342 = arith.muli %add3A_340, %mul3A_341 : i32
      %dma_start3A_343 = tpu.memref_slice %arg5[%mul3A_342] : memref<1024xi32, #tpu.memory_space<vmem>> -> memref<16xi32, #tpu.memory_space<vmem>>
      %dma_start3A_344 = arith.constant 0 : i32
      %dma_start3A_345 = arith.constant 0 : i32
      %dma_start3A_346 = tpu.memref_slice %arg3[%dma_start3A_344, %dma_start3A_345] : memref<8192x1024xf32, #tpu.memory_space<hbm>> -> memref<8192x1024xf32, #tpu.memory_space<hbm>>
      tpu.enqueue_indirect_dma source(%dma_start3A_346 : memref<8192x1024xf32, #tpu.memory_space<hbm>>) target(%arg7 : memref<16x1024xf32, #tpu.memory_space<vmem>>) offsets(%dma_start3A_343 : memref<16xi32, #tpu.memory_space<vmem>>) semaphore(%arg11 : memref<!tpu.dma_semaphore, #tpu.memory_space<semaphore_mem>>)
    }
    %scan3A_127 = arith.constant 14 : i32
    %dma_wait3A_128 = arith.constant 0 : i32
    %dma_wait3A_129 = arith.constant 0 : i32
    %dma_wait3A_130 = tpu.memref_slice %arg3[%dma_wait3A_128, %dma_wait3A_129] : memref<8192x1024xf32, #tpu.memory_space<hbm>> -> memref<16x1024xf32, #tpu.memory_space<hbm>>
    %dma_wait3A_131 = arith.constant 0 : i32
    %dma_wait3A_132 = arith.constant 0 : i32
    %dma_wait3A_133 = tpu.memref_slice %arg3[%dma_wait3A_131, %dma_wait3A_132] : memref<8192x1024xf32, #tpu.memory_space<hbm>> -> memref<16x1024xf32, #tpu.memory_space<hbm>>
    tpu.wait_dma2 semaphore(%arg10 : memref<!tpu.dma_semaphore, #tpu.memory_space<semaphore_mem>>) src(%dma_wait3A_133 : memref<16x1024xf32, #tpu.memory_space<hbm>>) dst(%arg6 : memref<16x1024xf32, #tpu.memory_space<vmem>>)
    %add3A_134 = arith.constant 960 : i32
    %add3A_135 = arith.addi %mul3A_2, %add3A_134 : i32
    %dma_start3A_136 = arith.constant 0 : i32
    %dma_start3A_137 = tpu.memref_slice %arg4[%add3A_135, %dma_start3A_136] : memref<32768x1024xf32, #tpu.memory_space<hbm>> -> memref<16x1024xf32, #tpu.memory_space<hbm>>
    %dma_start3A_138 = arith.constant 0 : i32
    %dma_start3A_139 = tpu.memref_slice %arg4[%add3A_135, %dma_start3A_138] : memref<32768x1024xf32, #tpu.memory_space<hbm>> -> memref<16x1024xf32, #tpu.memory_space<hbm>>
    tpu.enqueue_dma source(%arg6 : memref<16x1024xf32, #tpu.memory_space<vmem>>) target(%dma_start3A_139 : memref<16x1024xf32, #tpu.memory_space<hbm>>) target_semaphore(%arg14 : memref<!tpu.dma_semaphore, #tpu.memory_space<semaphore_mem>>)
    %dma_wait3A_140 = arith.constant 0 : i32
    %dma_wait3A_141 = arith.constant 0 : i32
    %dma_wait3A_142 = tpu.memref_slice %arg4[%dma_wait3A_140, %dma_wait3A_141] : memref<32768x1024xf32, #tpu.memory_space<hbm>> -> memref<16x1024xf32, #tpu.memory_space<hbm>>
    %dma_wait3A_143 = arith.constant 0 : i32
    %dma_wait3A_144 = arith.constant 0 : i32
    %dma_wait3A_145 = tpu.memref_slice %arg4[%dma_wait3A_143, %dma_wait3A_144] : memref<32768x1024xf32, #tpu.memory_space<hbm>> -> memref<16x1024xf32, #tpu.memory_space<hbm>>
    tpu.wait_dma2 semaphore(%arg16 : memref<!tpu.dma_semaphore, #tpu.memory_space<semaphore_mem>>) src(%arg8 : memref<16x1024xf32, #tpu.memory_space<vmem>>) dst(%dma_wait3A_145 : memref<16x1024xf32, #tpu.memory_space<hbm>>)
    %dma_start3A_146 = arith.constant 992 : i32
    %dma_start3A_147 = tpu.memref_slice %arg5[%dma_start3A_146] : memref<1024xi32, #tpu.memory_space<vmem>> -> memref<16xi32, #tpu.memory_space<vmem>>
    %dma_start3A_148 = arith.constant 0 : i32
    %dma_start3A_149 = arith.constant 0 : i32
    %dma_start3A_150 = tpu.memref_slice %arg3[%dma_start3A_148, %dma_start3A_149] : memref<8192x1024xf32, #tpu.memory_space<hbm>> -> memref<8192x1024xf32, #tpu.memory_space<hbm>>
    tpu.enqueue_indirect_dma source(%dma_start3A_150 : memref<8192x1024xf32, #tpu.memory_space<hbm>>) target(%arg8 : memref<16x1024xf32, #tpu.memory_space<vmem>>) offsets(%dma_start3A_147 : memref<16xi32, #tpu.memory_space<vmem>>) semaphore(%arg12 : memref<!tpu.dma_semaphore, #tpu.memory_space<semaphore_mem>>)
    %dma_wait3A_151 = arith.constant 0 : i32
    %dma_wait3A_152 = arith.constant 0 : i32
    %dma_wait3A_153 = tpu.memref_slice %arg3[%dma_wait3A_151, %dma_wait3A_152] : memref<8192x1024xf32, #tpu.memory_space<hbm>> -> memref<16x1024xf32, #tpu.memory_space<hbm>>
    %dma_wait3A_154 = arith.constant 0 : i32
    %dma_wait3A_155 = arith.constant 0 : i32
    %dma_wait3A_156 = tpu.memref_slice %arg3[%dma_wait3A_154, %dma_wait3A_155] : memref<8192x1024xf32, #tpu.memory_space<hbm>> -> memref<16x1024xf32, #tpu.memory_space<hbm>>
    tpu.wait_dma2 semaphore(%arg11 : memref<!tpu.dma_semaphore, #tpu.memory_space<semaphore_mem>>) src(%dma_wait3A_156 : memref<16x1024xf32, #tpu.memory_space<hbm>>) dst(%arg7 : memref<16x1024xf32, #tpu.memory_space<vmem>>)
    %add3A_157 = arith.constant 976 : i32
    %add3A_158 = arith.addi %mul3A_2, %add3A_157 : i32
    %dma_start3A_159 = arith.constant 0 : i32
    %dma_start3A_160 = tpu.memref_slice %arg4[%add3A_158, %dma_start3A_159] : memref<32768x1024xf32, #tpu.memory_space<hbm>> -> memref<16x1024xf32, #tpu.memory_space<hbm>>
    %dma_start3A_161 = arith.constant 0 : i32
    %dma_start3A_162 = tpu.memref_slice %arg4[%add3A_158, %dma_start3A_161] : memref<32768x1024xf32, #tpu.memory_space<hbm>> -> memref<16x1024xf32, #tpu.memory_space<hbm>>
    tpu.enqueue_dma source(%arg7 : memref<16x1024xf32, #tpu.memory_space<vmem>>) target(%dma_start3A_162 : memref<16x1024xf32, #tpu.memory_space<hbm>>) target_semaphore(%arg15 : memref<!tpu.dma_semaphore, #tpu.memory_space<semaphore_mem>>)
    %dma_wait3A_163 = arith.constant 0 : i32
    %dma_wait3A_164 = arith.constant 0 : i32
    %dma_wait3A_165 = tpu.memref_slice %arg4[%dma_wait3A_163, %dma_wait3A_164] : memref<32768x1024xf32, #tpu.memory_space<hbm>> -> memref<16x1024xf32, #tpu.memory_space<hbm>>
    %dma_wait3A_166 = arith.constant 0 : i32
    %dma_wait3A_167 = arith.constant 0 : i32
    %dma_wait3A_168 = tpu.memref_slice %arg4[%dma_wait3A_166, %dma_wait3A_167] : memref<32768x1024xf32, #tpu.memory_space<hbm>> -> memref<16x1024xf32, #tpu.memory_space<hbm>>
    tpu.wait_dma2 semaphore(%arg17 : memref<!tpu.dma_semaphore, #tpu.memory_space<semaphore_mem>>) src(%arg9 : memref<16x1024xf32, #tpu.memory_space<vmem>>) dst(%dma_wait3A_168 : memref<16x1024xf32, #tpu.memory_space<hbm>>)
    %dma_start3A_169 = arith.constant 1008 : i32
    %dma_start3A_170 = tpu.memref_slice %arg5[%dma_start3A_169] : memref<1024xi32, #tpu.memory_space<vmem>> -> memref<16xi32, #tpu.memory_space<vmem>>
    %dma_start3A_171 = arith.constant 0 : i32
    %dma_start3A_172 = arith.constant 0 : i32
    %dma_start3A_173 = tpu.memref_slice %arg3[%dma_start3A_171, %dma_start3A_172] : memref<8192x1024xf32, #tpu.memory_space<hbm>> -> memref<8192x1024xf32, #tpu.memory_space<hbm>>
    tpu.enqueue_indirect_dma source(%dma_start3A_173 : memref<8192x1024xf32, #tpu.memory_space<hbm>>) target(%arg9 : memref<16x1024xf32, #tpu.memory_space<vmem>>) offsets(%dma_start3A_170 : memref<16xi32, #tpu.memory_space<vmem>>) semaphore(%arg13 : memref<!tpu.dma_semaphore, #tpu.memory_space<semaphore_mem>>)
    %dma_wait3A_174 = arith.constant 0 : i32
    %dma_wait3A_175 = arith.constant 0 : i32
    %dma_wait3A_176 = tpu.memref_slice %arg3[%dma_wait3A_174, %dma_wait3A_175] : memref<8192x1024xf32, #tpu.memory_space<hbm>> -> memref<16x1024xf32, #tpu.memory_space<hbm>>
    %dma_wait3A_177 = arith.constant 0 : i32
    %dma_wait3A_178 = arith.constant 0 : i32
    %dma_wait3A_179 = tpu.memref_slice %arg3[%dma_wait3A_177, %dma_wait3A_178] : memref<8192x1024xf32, #tpu.memory_space<hbm>> -> memref<16x1024xf32, #tpu.memory_space<hbm>>
    tpu.wait_dma2 semaphore(%arg12 : memref<!tpu.dma_semaphore, #tpu.memory_space<semaphore_mem>>) src(%dma_wait3A_179 : memref<16x1024xf32, #tpu.memory_space<hbm>>) dst(%arg8 : memref<16x1024xf32, #tpu.memory_space<vmem>>)
    %add3A_180 = arith.constant 992 : i32
    %add3A_181 = arith.addi %mul3A_2, %add3A_180 : i32
    %dma_start3A_182 = arith.constant 0 : i32
    %dma_start3A_183 = tpu.memref_slice %arg4[%add3A_181, %dma_start3A_182] : memref<32768x1024xf32, #tpu.memory_space<hbm>> -> memref<16x1024xf32, #tpu.memory_space<hbm>>
    %dma_start3A_184 = arith.constant 0 : i32
    %dma_start3A_185 = tpu.memref_slice %arg4[%add3A_181, %dma_start3A_184] : memref<32768x1024xf32, #tpu.memory_space<hbm>> -> memref<16x1024xf32, #tpu.memory_space<hbm>>
    tpu.enqueue_dma source(%arg8 : memref<16x1024xf32, #tpu.memory_space<vmem>>) target(%dma_start3A_185 : memref<16x1024xf32, #tpu.memory_space<hbm>>) target_semaphore(%arg16 : memref<!tpu.dma_semaphore, #tpu.memory_space<semaphore_mem>>)
    %dma_wait3A_186 = arith.constant 0 : i32
    %dma_wait3A_187 = arith.constant 0 : i32
    %dma_wait3A_188 = tpu.memref_slice %arg3[%dma_wait3A_186, %dma_wait3A_187] : memref<8192x1024xf32, #tpu.memory_space<hbm>> -> memref<16x1024xf32, #tpu.memory_space<hbm>>
    %dma_wait3A_189 = arith.constant 0 : i32
    %dma_wait3A_190 = arith.constant 0 : i32
    %dma_wait3A_191 = tpu.memref_slice %arg3[%dma_wait3A_189, %dma_wait3A_190] : memref<8192x1024xf32, #tpu.memory_space<hbm>> -> memref<16x1024xf32, #tpu.memory_space<hbm>>
    tpu.wait_dma2 semaphore(%arg13 : memref<!tpu.dma_semaphore, #tpu.memory_space<semaphore_mem>>) src(%dma_wait3A_191 : memref<16x1024xf32, #tpu.memory_space<hbm>>) dst(%arg9 : memref<16x1024xf32, #tpu.memory_space<vmem>>)
    %add3A_192 = arith.constant 1008 : i32
    %add3A_193 = arith.addi %mul3A_2, %add3A_192 : i32
    %dma_start3A_194 = arith.constant 0 : i32
    %dma_start3A_195 = tpu.memref_slice %arg4[%add3A_193, %dma_start3A_194] : memref<32768x1024xf32, #tpu.memory_space<hbm>> -> memref<16x1024xf32, #tpu.memory_space<hbm>>
    %dma_start3A_196 = arith.constant 0 : i32
    %dma_start3A_197 = tpu.memref_slice %arg4[%add3A_193, %dma_start3A_196] : memref<32768x1024xf32, #tpu.memory_space<hbm>> -> memref<16x1024xf32, #tpu.memory_space<hbm>>
    tpu.enqueue_dma source(%arg9 : memref<16x1024xf32, #tpu.memory_space<vmem>>) target(%dma_start3A_197 : memref<16x1024xf32, #tpu.memory_space<hbm>>) target_semaphore(%arg17 : memref<!tpu.dma_semaphore, #tpu.memory_space<semaphore_mem>>)
    %dma_wait3A_198 = arith.constant 0 : i32
    %dma_wait3A_199 = arith.constant 0 : i32
    %dma_wait3A_200 = tpu.memref_slice %arg4[%dma_wait3A_198, %dma_wait3A_199] : memref<32768x1024xf32, #tpu.memory_space<hbm>> -> memref<16x1024xf32, #tpu.memory_space<hbm>>
    %dma_wait3A_201 = arith.constant 0 : i32
    %dma_wait3A_202 = arith.constant 0 : i32
    %dma_wait3A_203 = tpu.memref_slice %arg4[%dma_wait3A_201, %dma_wait3A_202] : memref<32768x1024xf32, #tpu.memory_space<hbm>> -> memref<16x1024xf32, #tpu.memory_space<hbm>>
    tpu.wait_dma2 semaphore(%arg14 : memref<!tpu.dma_semaphore, #tpu.memory_space<semaphore_mem>>) src(%arg6 : memref<16x1024xf32, #tpu.memory_space<vmem>>) dst(%dma_wait3A_203 : memref<16x1024xf32, #tpu.memory_space<hbm>>)
    %dma_wait3A_204 = arith.constant 0 : i32
    %dma_wait3A_205 = arith.constant 0 : i32
    %dma_wait3A_206 = tpu.memref_slice %arg4[%dma_wait3A_204, %dma_wait3A_205] : memref<32768x1024xf32, #tpu.memory_space<hbm>> -> memref<16x1024xf32, #tpu.memory_space<hbm>>
    %dma_wait3A_207 = arith.constant 0 : i32
    %dma_wait3A_208 = arith.constant 0 : i32
    %dma_wait3A_209 = tpu.memref_slice %arg4[%dma_wait3A_207, %dma_wait3A_208] : memref<32768x1024xf32, #tpu.memory_space<hbm>> -> memref<16x1024xf32, #tpu.memory_space<hbm>>
    tpu.wait_dma2 semaphore(%arg15 : memref<!tpu.dma_semaphore, #tpu.memory_space<semaphore_mem>>) src(%arg7 : memref<16x1024xf32, #tpu.memory_space<vmem>>) dst(%dma_wait3A_209 : memref<16x1024xf32, #tpu.memory_space<hbm>>)
    %dma_wait3A_210 = arith.constant 0 : i32
    %dma_wait3A_211 = arith.constant 0 : i32
    %dma_wait3A_212 = tpu.memref_slice %arg4[%dma_wait3A_210, %dma_wait3A_211] : memref<32768x1024xf32, #tpu.memory_space<hbm>> -> memref<16x1024xf32, #tpu.memory_space<hbm>>
    %dma_wait3A_213 = arith.constant 0 : i32
    %dma_wait3A_214 = arith.constant 0 : i32
    %dma_wait3A_215 = tpu.memref_slice %arg4[%dma_wait3A_213, %dma_wait3A_214] : memref<32768x1024xf32, #tpu.memory_space<hbm>> -> memref<16x1024xf32, #tpu.memory_space<hbm>>
    tpu.wait_dma2 semaphore(%arg16 : memref<!tpu.dma_semaphore, #tpu.memory_space<semaphore_mem>>) src(%arg8 : memref<16x1024xf32, #tpu.memory_space<vmem>>) dst(%dma_wait3A_215 : memref<16x1024xf32, #tpu.memory_space<hbm>>)
    %dma_wait3A_216 = arith.constant 0 : i32
    %dma_wait3A_217 = arith.constant 0 : i32
    %dma_wait3A_218 = tpu.memref_slice %arg4[%dma_wait3A_216, %dma_wait3A_217] : memref<32768x1024xf32, #tpu.memory_space<hbm>> -> memref<16x1024xf32, #tpu.memory_space<hbm>>
    %dma_wait3A_219 = arith.constant 0 : i32
    %dma_wait3A_220 = arith.constant 0 : i32
    %dma_wait3A_221 = tpu.memref_slice %arg4[%dma_wait3A_219, %dma_wait3A_220] : memref<32768x1024xf32, #tpu.memory_space<hbm>> -> memref<16x1024xf32, #tpu.memory_space<hbm>>
    tpu.wait_dma2 semaphore(%arg17 : memref<!tpu.dma_semaphore, #tpu.memory_space<semaphore_mem>>) src(%arg9 : memref<16x1024xf32, #tpu.memory_space<vmem>>) dst(%dma_wait3A_221 : memref<16x1024xf32, #tpu.memory_space<hbm>>)
    return
  }
}

</mosaic_0001>

<sc_bundles>
// kernel: kernel.3.cloned.1.call-start
scs
__scs_entry_jumppad:
0x0: {  	(pc) =	sbr.rel $0x88, $3  }
0x1: {  	(tag) =	ssettag $0x0;
	lr =	simm.s32 $0x1  }
0x2: {  	[smem:$0x3F9F] =	sst lr;
	_ =	strace $0xD0000000  }
0x3: {  	_ = 	snop  }
0x4: {  	_ = 	snop  }
0x5: {  	_ = 	snop  }
0x6: {  	_ = 	snop  }
0x7: {  	_ = 	snop  }
__scs_overlays_trampoline_lowered:
0x8: {  	[smem:$0x3FAE] =	sst s0  }
0x9: {  	[smem:$0x3FAF] =	sst s1  }
0xa: {  	[smem:$0x3FB0] =	sst s2  }
0xb: {  	[smem:$0x3FB1] =	sst s3  }
0xc: {  	[smem:$0x3FB2] =	sst s4  }
0xd: {  	[smem:$0x3FB3] =	sst s5  }
0xe: {  	[smem:$0x3FB4] =	sst s6  }
0xf: {  	[smem:$0x3FB5] =	sst s7  }
0x10: {  	[smem:$0x3FB6] =	sst s8  }
0x11: {  	[smem:$0x3FB7] =	sst s9;
	s0 =	simm.s32 @!p0 $0x0  }
0x12: {  	s1 =	sld [smem:$0x3F9D];
	s0 =	simm.s32 @p0 $0x1  }
0x13: {  	[smem:$0x3FB8] =	sst s0;
	s0 =	simm.s32 @!p1 $0x0  }
0x14: {  	s2 =	sld [smem:$0x3F9C];
	s0 =	simm.s32 @p1 $0x1  }
0x15: {  	[smem:$0x3FB9] =	sst s0;
	s0 =	simm.s32 @!p2 $0x0  }
0x16: {  	s3 =	sld [smem:$0x3FDB];
	s0 =	simm.s32 @p2 $0x1  }
0x17: {  	s4 =	simm.s32 $0x1BF5;
	[smem:$0x3FBB] =	sst s0  }
0x18: {  	s0 =	sld [smem:$0x3F9E];
	_ =	swait.ge [sflag:s4], $0x0  }
0x19: {  	s7 =	sld [smem:$0x3F9F]  }
0x1a: {  	s8 =	sadd.s32 $0xFFFFE003, lr  }
0x1b: {  	s9 =	sadd.s32 $0xFFFFFEF7, lr;
	s5 =	simm.s32 $0xFFFFFFFF;
	p2 =	slt.u32 s8, $0xFFFFF086  }
0x1c: {  	p1 =	slt.u32 s9, $0xF7A;
	s5 =	simm.s32 @!p2 $0x0  }
0x1d: {  	s5 =	simm.s32 @p1 $0x1;
	p0 =	seq.s32 s7, s2  }
0x1e: {  	s7 =	smul.u32 @!p0 $0xF7A, s2;
	p2 =	seq.s32 @!p0 s5, $0x0  }
0x1f: {  	s9 =	smul.u32 $0xF7A, s1;
	s8 =	simm.s32 @!p0 $0x1BF5;
	p2 =	por !p2, p0  }
0x20: {  	[sflag:s8] =	ssyncset.s32 @!p0 $0xFFFFF086;
	s6 =	sadd.s32 @!p0 s3, s7;
	s7 =	simm.s32 @!p0 $0x108  }
0x21: {  	s3 =	sadd.s32 s3, s9;
	s6 =	sadd.s32 @!p0 $0x88, s6;
	s7 =	simm.s32 @p2 $0x1082  }
0x22: {  	[simem:s7], [sflag:s8] =	dma.local @!p0 [hbm:s6], $0xF7A  }
0x23: {  	s9 =	sor.u32 $0xD0000000, s2;
	s6 =	simm.s32 $0x108;
	_ =	swait.ge @!p0 [sflag:s8], $0x0  }
0x24: {  	s3 =	sadd.s32 $0x88, s3;
	s6 =	simm.s32 @!p1 $0x1082;
	[sflag:s4] =	ssyncset.s32 $0xFFFFF086  }
0x25: {  	[simem:s6], [sflag:s4] =	dma.local [hbm:s3], $0xF7A  }
0x26: {  	[smem:$0x3F9F] =	sst s1;
	(tag) =	ssettag s2;
	_ =	strace s9  }
0x27: {  	s1 =	sld [smem:$0x3FAF]  }
0x28: {  	s2 =	sld [smem:$0x3FB0]  }
0x29: {  	s4 =	sld [smem:$0x3FB2]  }
0x2a: {  	p0 =	seq.s32 s5, $0x0;
	s5 =	sld [smem:$0x3FB3]  }
0x2b: {  	s6 =	sld [smem:$0x3FB4]  }
0x2c: {  	s7 =	sld [smem:$0x3FB5]  }
0x2d: {  	s3 =	simm.s32 $0x108;
	s8 =	sld [smem:$0x3FB6]  }
0x2e: {  	s3 =	simm.s32 @!p0 $0x1082;
	s9 =	sld [smem:$0x3FB7]  }
0x2f: {  	lr =	sadd.s32 s0, s3;
	s0 =	sld [smem:$0x3FAE]  }
0x30: {  	s3 =	sld [smem:$0x3FB1]  }
0x31: {  	[smem:$0x3FBA] =	sst s10  }
0x32: {  	s10 =	sld [smem:$0x3FB8];
	_ =	sdelay $0x3  }
0x33: {  	p0 =	seq.s32 s10, $0x1;
	s10 =	sld [smem:$0x3FBA];
	_ =	sdelay $0x3  }
0x34: {  	[smem:$0x3FBA] =	sst s10  }
0x35: {  	s10 =	sld [smem:$0x3FB9];
	_ =	sdelay $0x3  }
0x36: {  	p1 =	seq.s32 s10, $0x1;
	s10 =	sld [smem:$0x3FBA];
	_ =	sdelay $0x3  }
0x37: {  	[smem:$0x3FBA] =	sst s10  }
0x38: {  	s10 =	sld [smem:$0x3FBB]  }
0x39: {  	_ = 	snop;
	(pc) =	sbr.ind lr, $3  }
0x3a: {  	_ = 	snop  }
0x3b: {  	_ = 	snop  }
0x3c: {  	p2 =	seq.s32 s10, $0x1;
	s10 =	sld [smem:$0x3FBA]  }
0x3d: {  	_ =	shalt  }
0x3e: {  	_ =	shalt  }
0x3f: {  	_ =	shalt  }
0x40: {  	_ =	shalt  }
0x41: {  	_ =	shalt  }
0x42: {  	_ =	shalt  }
0x43: {  	_ =	shalt  }
0x44: {  	_ =	shalt  }
0x45: {  	_ =	shalt  }
0x46: {  	_ =	shalt  }
0x47: {  	_ =	shalt  }
0x48: {  	_ =	shalt  }
0x49: {  	_ =	shalt  }
0x4a: {  	_ =	shalt  }
0x4b: {  	_ =	shalt  }
0x4c: {  	_ =	shalt  }
0x4d: {  	_ =	shalt  }
0x4e: {  	_ =	shalt  }
0x4f: {  	_ =	shalt  }
0x50: {  	_ =	shalt  }
0x51: {  	_ =	shalt  }
0x52: {  	_ =	shalt  }
0x53: {  	_ =	shalt  }
0x54: {  	_ =	shalt  }
0x55: {  	_ =	shalt  }
0x56: {  	_ =	shalt  }
0x57: {  	_ =	shalt  }
0x58: {  	_ =	shalt  }
0x59: {  	_ =	shalt  }
0x5a: {  	_ =	shalt  }
0x5b: {  	_ =	shalt  }
0x5c: {  	_ =	shalt  }
0x5d: {  	_ =	shalt  }
0x5e: {  	_ =	shalt  }
0x5f: {  	_ =	shalt  }
0x60: {  	_ =	shalt  }
0x61: {  	_ =	shalt  }
0x62: {  	_ =	shalt  }
0x63: {  	_ =	shalt  }
0x64: {  	_ =	shalt  }
0x65: {  	_ =	shalt  }
0x66: {  	_ =	shalt  }
0x67: {  	_ =	shalt  }
0x68: {  	_ =	shalt  }
0x69: {  	_ =	shalt  }
0x6a: {  	_ =	shalt  }
0x6b: {  	_ =	shalt  }
0x6c: {  	_ =	shalt  }
0x6d: {  	_ =	shalt  }
0x6e: {  	_ =	shalt  }
0x6f: {  	_ =	shalt  }
0x70: {  	_ =	shalt  }
0x71: {  	_ =	shalt  }
0x72: {  	_ =	shalt  }
0x73: {  	_ =	shalt  }
0x74: {  	_ =	shalt  }
0x75: {  	_ =	shalt  }
0x76: {  	_ =	shalt  }
0x77: {  	_ =	shalt  }
0x78: {  	_ =	shalt  }
0x79: {  	_ =	shalt  }
0x7a: {  	_ =	shalt  }
0x7b: {  	_ =	shalt  }
0x7c: {  	_ =	shalt  }
0x7d: {  	_ =	shalt  }
0x7e: {  	_ =	shalt  }
0x7f: {  	_ =	shalt  }
0x80: {  	_ =	shalt  }
0x81: {  	_ =	shalt  }
0x82: {  	_ =	shalt  }
0x83: {  	_ =	shalt  }
0x84: {  	_ =	shalt  }
0x85: {  	_ =	shalt  }
0x86: {  	_ =	shalt  }
0x87: {  	_ =	shalt  }
.Lfunc_end0:
.L_simem_size_0:
called_computation_lowered:
.L_overlay_start_0:
0x88: {  	s2 =	sld [smem:$0x3FD9]  }
0x89: {  	s3 =	sld [smem:$0x3FFE];
	_ =	sdelay $0x1  }
0x8a: {  	s1 =	srdreg.scid  }
0x8b: {  	s0 =	sand.u32 $0x1, s1  }
0x8c: {  	s18 =	sshll.u32 s0, $0xA;
	s2 =	sadd.s32 s3, s2  }
0x8d: {  	s2 =	sadd.s32 s2, s18  }
0x8e: {  	[smem:$0x3FC6] =	sst s2  }
0x8f: {  	_ = 	snop  }
0x90: {  	s2 =	sld [smem:$0x3FC9]  }
0x91: {  	s19 =	sld [smem:$0x3FC8]  }
0x92: {  	s4 =	sld [smem:$0x3FD0];
	(tm) =	ssettm $0x1  }
0x93: {  	s5 =	sld [smem:$0x3FFB];
	_ =	sdelay $0x3  }
0x94: {  	_ =	strace s5  }
0x95: {  	s5 =	sld [smem:$0x3FFC];
	_ =	sdelay $0x3  }
0x96: {  	_ =	strace s5  }
0x97: {  	s5 =	sld [smem:$0x3FFD];
	_ =	sdelay $0x3  }
0x98: {  	_ =	strace s5  }
0x99: {  	_ =	strace $0x8FFFFFFF  }
0x9a: {  	s20 =	sld [smem:$0x3FDB];
	_ =	sdelay $0x1  }
0x9b: {  	s6 =	simm.s32 $_scs_section_size  }
0x9c: {  	s7 =	simm.s32 $_size__tile_overlayer_lowered;
	s8 =	simm.s32 $_tile_overlayer_lowered  }
0x9d: {  	s23 =	simm.s32 $0x1BFF;
	s22 =	sshll.u32 s8, $0x1;
	s5 =	sadd.s32 s6, s20  }
0x9e: {  	s9 =	simm.s32 $0x0;
	s21 =	sshll.u32 s7, $0x1;
	s7 =	sadd.s32 s22, s5  }
0x9f: {  	[timem:s9], [sflag:s23] =	dma.local [hbm:s7], s21  }
0xa0: {  	_ =	swait.ge [sflag:s23], s21  }
0xa1: {  	s6 =	ssub.s32 $0x0, s21;
	[sflag:s23] =	ssyncset.done $0x0  }
0xa2: {  	[sflag:s23] =	ssyncadd.s32 s6;
	_ =	sdelay $0x1  }
0xa3: {  	s24 =	simm.s32 $0x1B8B  }
0xa4: {  	_ =	swait.ge [sflag:s24], $0x1  }
0xa5: {  	[sflag:s24] =	ssyncset.done $0x0  }
0xa6: {  	s25 =	simm.s32 $0x1B8E;
	[sflag:s24] =	ssyncadd.s32 $0xFFFFFFFF  }
0xa7: {  	s26 =	simm.s32 $execute0_lowered;
	[smem:$0x3FD2] =	sst s25  }
0xa8: {  	s6 =	sshll.u32 s26, $0x1;
	_ =	strace $0x80000046;
	[dreg:$0x1] =	wrdreg $0xFFFFFFFF  }
0xa9: {  	s28 =	simm.s32 $_size_execute0_lowered;
	s5 =	sadd.s32 s5, s6;
	[dreg:$0x0] =	wrdreg $0x0  }
0xaa: {  	s6 =	sshll.u32 s28, $0x1;
	[dreg:$0x2] =	wrdreg s5  }
0xab: {  	[dreg:$0x3] =	wrdreg s6  }
0xac: {  	[dreg:$0x4] =	wrdreg $0xC0  }
0xad: {  	_ =	task [dreg:s9], $0x5FFFF  }
0xae: {  	[dreg:$0x1] =	wrdreg $0xFFFFFFFF  }
0xaf: {  	[dreg:$0x0] =	wrdreg $0x60  }
0xb0: {  	[dreg:$0x2] =	wrdreg s2  }
0xb1: {  	[dreg:$0x3] =	wrdreg s19  }
0xb2: {  	[dreg:$0x4] =	wrdreg s4  }
0xb3: {  	[dreg:$0x5] =	wrdreg $0x9  }
0xb4: {  	_ =	task.clear_ibuf [dreg:s9], $0x6FFFF;
	_ =	strace $0x90000046  }
0xb5: {  	s29 =	simm.s32 $0x9;
	_ =	strace $0x80000048  }
0xb6: {  	_ =	swait.ge [sflag:s29], $0x1  }
0xb7: {  	[sflag:s29] =	ssyncadd.s32 $0xFFFFFFFF  }
0xb8: {  	_ =	strace $0x90000048  }
0xb9: {  	_ =	sfence  }
0xba: {  	s30 =	sld [smem:$0x0];
	_ =	sdelay $0x2  }
0xbb: {  	s31 =	sshll.u32 s1, $0xD;
	s1 =	sshrl.u32 s1, $0x2  }
0xbc: {  	s3 =	sand.u32 $0x4000, s31;
	s1 =	sadd.s32 s1, s30  }
0xbd: {  	s0 =	sor.u32 s3, s0;
	s1 =	sshll.u32 s1, $0x11  }
0xbe: {  	s0 =	sor.u32 s1, s0  }
0xbf: {  	s0 =	sadd.s32 $0x8F2B, s0  }
0xc0: {  	[sflag:s0] =	ssyncadd.remote.s32 $0x1  }
0xc1: {  	_ =	sfence.sel $0xFFFF  }
0xc2: {  	[dreg:$0x0] =	wrdreg $0xFFFFFFFF;
	(pc) =	sbr.abs _section_cstart, $3  }
0xc3: {  	[dreg:$0x1] =	wrdreg $0xFFFFFFFF  }
0xc4: {  	_ =	task.clear_ibuf [dreg:s9], $0x2FFFF;
	_ =	strace $0x9FFFFFFF  }
0xc5: {  	(tm) =	ssettm $0x7FFFFFFF  }
tec
execute0_lowered:
.L_overlay_start_1:
0x0: {  	(tag) =	ssettag $0x1  }
0x1: {  	s0 =	rddreg [dreg:$0x0]  }
0x2: {  	s1 =	rddreg [dreg:$0x1]  }
0x3: {  	s2 =	rddreg [dreg:$0x2];
	s3 =	simm.s32 $0x0  }
0x4: {  	s4 =	srdreg.scid;
	s10 =	stileid.u32;
	s14 =	simm.s32 $0xC00  }
0x5: {  	s31 =	simm.s32 $0x3;
	[smem:$0x7FF] =	sst s3;
	s4 =	sand.u32 $0x1, s4  }
0x6: {  	s5 =	sshll.u32 s10, $0x1;
	s17 =	sshll.u32 s10, $0x2;
	s25 =	sshll.u32 s10, $0x12  }
0x7: {  	_ =	strace $0x80000047;
	s6 =	ssub.s32 $0x2, s4;
	s7 =	sor.u32 s4, s5  }
0x8: {  	s5 =	sand.u32 $0x30, s17;
	s28 =	sshll.u32 s4, $0x11;
	s17 =	simm.s32 $0x6  }
0x9: {  	s4 =	simm.s32 $0x8;
	s9 =	sshll.u32 s7, $0x9;
	s19 =	sshll.u32 s7, $0x11  }
0xa: {  	s0 =	sadd.s32 s0, s5;
	s18 =	sand.u32 $0xE00, s9;
	s20 =	sadd.s32 s2, s19  }
0xb: {  	s8 =	sshrl.u32 s6, $0x1;
	s0 =	sadd.s32 s18, s0;
	[dreg:$0x6] =	wrdreg s20  }
0xc: {  	s5 =	sadd.s32 $0x100, s1;
	s21 =	sadd.s32 $0x1000, s20;
	[dreg:$0x5] =	wrdreg s0  }
0xd: {  	s7 =	sadd.s32 $0x300, s1;
	s22 =	sadd.s32 $0x1800, s20;
	[dreg:$0x8] =	wrdreg s21  }
0xe: {  	s8 =	ssub.s32 s6, s8;
	s23 =	sadd.s32 $0x1E000, s20;
	[dreg:$0x9] =	wrdreg s22  }
0xf: {  	s6 =	sadd.s32 $0x200, s1;
	s24 =	sadd.s32 $0x1E800, s20;
	[dreg:$0xa] =	wrdreg s23  }
0x10: {  	s9 =	simm.s32 $0x1;
	s26 =	sadd.s32 $0x1F000, s20;
	[dreg:$0xb] =	wrdreg s24  }
0x11: {  	s19 =	simm.s32 $0x2;
	s29 =	sadd.s32 $0x1F800, s20;
	[dreg:$0xc] =	wrdreg s26  }
0x12: {  	s30 =	smax.u32 s8, $0x1;
	s0 =	sadd.s32 $0x800, s20;
	[dreg:$0xd] =	wrdreg s29  }
0x13: {  	v2 =	vlaneseq.u32;
	s18 =	simm.s32 $0x7;
	[dreg:$0x7] =	wrdreg s0;
	s0 =	sadd.s32 s25, s2  }
0x14: {  	vm0 =	vmmov $0xffff;
	v1 =	vshrl.u32 v2, $0x3;
	s8 =	simm.s32 $0x0;
	[dreg:$0xe] =	wrdreg s30;
	s0 =	sadd.s32 s28, s0  }
0x15: {  	v0 =	vand.u32 $0x7, v2;
	v2 =	vor.u32 $0x8, v2;
	v1 =	vmul.u32 $0x8, v1;
	s2 =	simm.s32 $0x4;
	[dreg:$0x4] =	wrdreg s0;
	s0 =	simm.s32 $0x5  }
.LBB2_1:
0x16: {  	[dreg:$0xf] =	wrdreg s8  }
0x17: {  	s11 =	rddreg [dreg:$0x5]  }
0x18: {  	s12 =	simm.s32 $0x80;
	s13 =	simm.s32 $0x200;
	s21 =	simm.s32 $0x9  }
0x19: {  	[tilespmem:s3], [sflag:$0x9] =	stream.strided.gather [hbm4b:s11+s12], $0x400, s13, s12, $0x38;
	[tilespmem:$0x10400] =	vst v63  }
0x1a: {  	_ =	swait.ge [sflag:s21], $0x400  }
0x1b: {  	[sflag:s21] =	ssyncset.done $0x0  }
0x1c: {  	[sflag:s21] =	ssyncadd.s32 $0xFFFFFC00  }
0x1d: {  	v3 =	vld [tilespmem:$0x0];
	_ =	sdelay $0x4  }
0x1e: {  	v4 =	vshll.u32 v3, $0x3  }
0x1f: {  	v3 =	vand.u32 $0x7, v3;
	v4 =	vand.u32 $0xFFFFFFC0, v4  }
0x20: {  	v3 =	vor.u32 v3, v4  }
0x21: {  	v4 =	vperm.xlane v3, v0;
	_ =	sdelay $0x1  }
0x22: {  	v4 =	vadd.s32 v1, v4;
	_ =	sdelay $0x3  }
0x23: {  	s8 =	simm.s32 $0x400  }
0x24: {  	[tilespmem:s8], [sflag:$0x1] =	stream.indirect_vreg.gather [hbm4b:s1+s3], $0x80, v4, vm0, $0xb8;
	[tilespmem:$0x10400] =	vst v63  }
0x25: {  	v3 =	vperm.xlane v3, v2  }
0x26: {  	[tilespmem:s14], [sflag:$0x1] =	stream.indirect_vreg.gather [hbm4b:s5+s3], $0x80, v4, vm0, $0xb8;
	[tilespmem:$0x10400] =	vst v63  }
0x27: {  	s12 =	simm.s32 $0x1400;
	v3 =	vadd.s32 v1, v3  }
0x28: {  	[tilespmem:s12], [sflag:$0x1] =	stream.indirect_vreg.gather [hbm4b:s6+s3], $0x80, v4, vm0, $0xb8;
	[tilespmem:$0x10400] =	vst v63  }
0x29: {  	s13 =	simm.s32 $0x1C00  }
0x2a: {  	[tilespmem:s13], [sflag:$0x1] =	stream.indirect_vreg.gather [hbm4b:s7+s3], $0x80, v4, vm0, $0xb8;
	[tilespmem:$0x10400] =	vst v63  }
0x2b: {  	s25 =	simm.s32 $0x2400  }
0x2c: {  	[tilespmem:s25], [sflag:$0x1] =	stream.indirect_vreg.gather [hbm4b:s1+s3], $0x80, v3, vm0, $0xb8;
	[tilespmem:$0x10400] =	vst v63  }
0x2d: {  	s26 =	simm.s32 $0x2C00  }
0x2e: {  	[tilespmem:s26], [sflag:$0x1] =	stream.indirect_vreg.gather [hbm4b:s5+s3], $0x80, v3, vm0, $0xb8;
	[tilespmem:$0x10400] =	vst v63  }
0x2f: {  	s28 =	simm.s32 $0x3400  }
0x30: {  	[tilespmem:s28], [sflag:$0x1] =	stream.indirect_vreg.gather [hbm4b:s6+s3], $0x80, v3, vm0, $0xb8;
	[tilespmem:$0x10400] =	vst v63  }
0x31: {  	s30 =	simm.s32 $0x3C00  }
0x32: {  	[tilespmem:s30], [sflag:$0x1] =	stream.indirect_vreg.gather [hbm4b:s7+s3], $0x80, v3, vm0, $0xb8;
	[tilespmem:$0x10400] =	vst v63  }
0x33: {  	v3 =	vld [tilespmem:$0x10];
	_ =	sdelay $0x4  }
0x34: {  	v59 =	vshll.u32 v3, $0x3  }
0x35: {  	v3 =	vand.u32 $0x7, v3;
	v4 =	vand.u32 $0xFFFFFFC0, v59  }
0x36: {  	v3 =	vor.u32 v3, v4  }
0x37: {  	v4 =	vperm.xlane v3, v0;
	_ =	sdelay $0x1  }
0x38: {  	v4 =	vadd.s32 v1, v4;
	_ =	sdelay $0x3  }
0x39: {  	s10 =	simm.s32 $0x4400  }
0x3a: {  	[tilespmem:s10], [sflag:$0x2] =	stream.indirect_vreg.gather [hbm4b:s1+s3], $0x80, v4, vm0, $0xb8;
	[tilespmem:$0x10400] =	vst v63  }
0x3b: {  	s20 =	simm.s32 $0x4C00;
	v3 =	vperm.xlane v3, v2  }
0x3c: {  	[tilespmem:s20], [sflag:$0x2] =	stream.indirect_vreg.gather [hbm4b:s5+s3], $0x80, v4, vm0, $0xb8;
	[tilespmem:$0x10400] =	vst v63  }
0x3d: {  	s23 =	simm.s32 $0x5400;
	v3 =	vadd.s32 v1, v3  }
0x3e: {  	[tilespmem:s23], [sflag:$0x2] =	stream.indirect_vreg.gather [hbm4b:s6+s3], $0x80, v4, vm0, $0xb8;
	[tilespmem:$0x10400] =	vst v63  }
0x3f: {  	s24 =	simm.s32 $0x5C00  }
0x40: {  	[tilespmem:s24], [sflag:$0x2] =	stream.indirect_vreg.gather [hbm4b:s7+s3], $0x80, v4, vm0, $0xb8;
	[tilespmem:$0x10400] =	vst v63  }
0x41: {  	s29 =	simm.s32 $0x6400  }
0x42: {  	[tilespmem:s29], [sflag:$0x2] =	stream.indirect_vreg.gather [hbm4b:s1+s3], $0x80, v3, vm0, $0xb8;
	[tilespmem:$0x10400] =	vst v63  }
0x43: {  	s22 =	simm.s32 $0x6C00  }
0x44: {  	[tilespmem:s22], [sflag:$0x2] =	stream.indirect_vreg.gather [hbm4b:s5+s3], $0x80, v3, vm0, $0xb8;
	[tilespmem:$0x10400] =	vst v63  }
0x45: {  	s21 =	simm.s32 $0x7400  }
0x46: {  	[tilespmem:s21], [sflag:$0x2] =	stream.indirect_vreg.gather [hbm4b:s6+s3], $0x80, v3, vm0, $0xb8;
	[tilespmem:$0x10400] =	vst v63  }
0x47: {  	s22 =	simm.s32 $0x7C00  }
0x48: {  	[tilespmem:s22], [sflag:$0x2] =	stream.indirect_vreg.gather [hbm4b:s7+s3], $0x80, v3, vm0, $0xb8;
	[tilespmem:$0x10400] =	vst v63  }
0x49: {  	_ =	swait.ge [sflag:s9], $0x4000  }
0x4a: {  	[sflag:s9] =	ssyncset.done $0x0  }
0x4b: {  	s15 =	rddreg [dreg:$0x6];
	[sflag:s9] =	ssyncadd.s32 $0xFFFFC000  }
0x4c: {  	[hbm4b:s15+s3] =	stream.linear.scatter [tilespmem:s8], [sflag:$0x5], $0x4000, $0x38;
	[tilespmem:$0x10400] =	vst v63  }
0x4d: {  	v3 =	vld [tilespmem:$0x20];
	_ =	sdelay $0x4  }
0x4e: {  	v60 =	vshll.u32 v3, $0x3  }
0x4f: {  	v3 =	vand.u32 $0x7, v3;
	v4 =	vand.u32 $0xFFFFFFC0, v60  }
0x50: {  	v3 =	vor.u32 v3, v4  }
0x51: {  	v4 =	vperm.xlane v3, v0;
	_ =	sdelay $0x1  }
0x52: {  	v4 =	vadd.s32 v1, v4;
	_ =	sdelay $0x3  }
0x53: {  	s15 =	simm.s32 $0x8400  }
0x54: {  	[tilespmem:s15], [sflag:$0x3] =	stream.indirect_vreg.gather [hbm4b:s1+s3], $0x80, v4, vm0, $0xb8;
	[tilespmem:$0x10400] =	vst v63  }
0x55: {  	s16 =	simm.s32 $0x8C00;
	v3 =	vperm.xlane v3, v2  }
0x56: {  	[tilespmem:s16], [sflag:$0x3] =	stream.indirect_vreg.gather [hbm4b:s5+s3], $0x80, v4, vm0, $0xb8;
	[tilespmem:$0x10400] =	vst v63  }
0x57: {  	v3 =	vadd.s32 v1, v3;
	s16 =	simm.s32 $0x9400  }
0x58: {  	[tilespmem:s16], [sflag:$0x3] =	stream.indirect_vreg.gather [hbm4b:s6+s3], $0x80, v4, vm0, $0xb8;
	[tilespmem:$0x10400] =	vst v63  }
0x59: {  	s16 =	simm.s32 $0x9C00  }
0x5a: {  	[tilespmem:s16], [sflag:$0x3] =	stream.indirect_vreg.gather [hbm4b:s7+s3], $0x80, v4, vm0, $0xb8;
	[tilespmem:$0x10400] =	vst v63  }
0x5b: {  	s16 =	simm.s32 $0xA400  }
0x5c: {  	[tilespmem:s16], [sflag:$0x3] =	stream.indirect_vreg.gather [hbm4b:s1+s3], $0x80, v3, vm0, $0xb8;
	[tilespmem:$0x10400] =	vst v63  }
0x5d: {  	s16 =	simm.s32 $0xAC00  }
0x5e: {  	[tilespmem:s16], [sflag:$0x3] =	stream.indirect_vreg.gather [hbm4b:s5+s3], $0x80, v3, vm0, $0xb8;
	[tilespmem:$0x10400] =	vst v63  }
0x5f: {  	s16 =	simm.s32 $0xB400  }
0x60: {  	[tilespmem:s16], [sflag:$0x3] =	stream.indirect_vreg.gather [hbm4b:s6+s3], $0x80, v3, vm0, $0xb8;
	[tilespmem:$0x10400] =	vst v63  }
0x61: {  	s16 =	simm.s32 $0xBC00  }
0x62: {  	[tilespmem:s16], [sflag:$0x3] =	stream.indirect_vreg.gather [hbm4b:s7+s3], $0x80, v3, vm0, $0xb8;
	[tilespmem:$0x10400] =	vst v63  }
0x63: {  	_ =	swait.ge [sflag:s19], $0x4000  }
0x64: {  	[sflag:s19] =	ssyncset.done $0x0  }
0x65: {  	s16 =	rddreg [dreg:$0x7];
	[sflag:s19] =	ssyncadd.s32 $0xFFFFC000  }
0x66: {  	[hbm4b:s16+s3] =	stream.linear.scatter [tilespmem:s10], [sflag:$0x6], $0x4000, $0x38;
	[tilespmem:$0x10400] =	vst v63  }
0x67: {  	v3 =	vld [tilespmem:$0x30];
	_ =	sdelay $0x4  }
0x68: {  	v61 =	vshll.u32 v3, $0x3  }
0x69: {  	v3 =	vand.u32 $0x7, v3;
	v4 =	vand.u32 $0xFFFFFFC0, v61  }
0x6a: {  	v3 =	vor.u32 v3, v4  }
0x6b: {  	v4 =	vperm.xlane v3, v0;
	_ =	sdelay $0x1  }
0x6c: {  	v4 =	vadd.s32 v1, v4;
	_ =	sdelay $0x3  }
0x6d: {  	s16 =	simm.s32 $0xC400  }
0x6e: {  	[tilespmem:s16], [sflag:$0x4] =	stream.indirect_vreg.gather [hbm4b:s1+s3], $0x80, v4, vm0, $0xb8;
	[tilespmem:$0x10400] =	vst v63  }
0x6f: {  	s11 =	simm.s32 $0xCC00;
	v3 =	vperm.xlane v3, v2  }
0x70: {  	[tilespmem:s11], [sflag:$0x4] =	stream.indirect_vreg.gather [hbm4b:s5+s3], $0x80, v4, vm0, $0xb8;
	[tilespmem:$0x10400] =	vst v63  }
0x71: {  	v3 =	vadd.s32 v1, v3;
	s11 =	simm.s32 $0xD400  }
0x72: {  	[tilespmem:s11], [sflag:$0x4] =	stream.indirect_vreg.gather [hbm4b:s6+s3], $0x80, v4, vm0, $0xb8;
	[tilespmem:$0x10400] =	vst v63  }
0x73: {  	s11 =	simm.s32 $0xDC00  }
0x74: {  	[tilespmem:s11], [sflag:$0x4] =	stream.indirect_vreg.gather [hbm4b:s7+s3], $0x80, v4, vm0, $0xb8;
	[tilespmem:$0x10400] =	vst v63  }
0x75: {  	s11 =	simm.s32 $0xE400  }
0x76: {  	[tilespmem:s11], [sflag:$0x4] =	stream.indirect_vreg.gather [hbm4b:s1+s3], $0x80, v3, vm0, $0xb8;
	[tilespmem:$0x10400] =	vst v63  }
0x77: {  	s11 =	simm.s32 $0xEC00  }
0x78: {  	[tilespmem:s11], [sflag:$0x4] =	stream.indirect_vreg.gather [hbm4b:s5+s3], $0x80, v3, vm0, $0xb8;
	[tilespmem:$0x10400] =	vst v63  }
0x79: {  	s11 =	simm.s32 $0xF400  }
0x7a: {  	[tilespmem:s11], [sflag:$0x4] =	stream.indirect_vreg.gather [hbm4b:s6+s3], $0x80, v3, vm0, $0xb8;
	[tilespmem:$0x10400] =	vst v63  }
0x7b: {  	s11 =	simm.s32 $0xFC00  }
0x7c: {  	[tilespmem:s11], [sflag:$0x4] =	stream.indirect_vreg.gather [hbm4b:s7+s3], $0x80, v3, vm0, $0xb8;
	[tilespmem:$0x10400] =	vst v63  }
0x7d: {  	_ =	swait.ge [sflag:s31], $0x4000  }
0x7e: {  	[sflag:s31] =	ssyncset.done $0x0  }
0x7f: {  	s11 =	rddreg [dreg:$0x8];
	[sflag:s31] =	ssyncadd.s32 $0xFFFFC000  }
0x80: {  	[hbm4b:s11+s3] =	stream.linear.scatter [tilespmem:s15], [sflag:$0x7], $0x4000, $0x38;
	[tilespmem:$0x10400] =	vst v63  }
0x81: {  	_ =	swait.ge [sflag:s0], $0x4000  }
0x82: {  	[sflag:s0] =	ssyncset.done $0x0  }
0x83: {  	[sflag:s0] =	ssyncadd.s32 $0xFFFFC000  }
0x84: {  	v3 =	vld [tilespmem:$0x40];
	_ =	sdelay $0x4  }
0x85: {  	v62 =	vshll.u32 v3, $0x3  }
0x86: {  	v3 =	vand.u32 $0x7, v3;
	v4 =	vand.u32 $0xFFFFFFC0, v62  }
0x87: {  	v3 =	vor.u32 v3, v4  }
0x88: {  	v4 =	vperm.xlane v3, v0;
	_ =	sdelay $0x1  }
0x89: {  	v4 =	vadd.s32 v1, v4;
	_ =	sdelay $0x4  }
0x8a: {  	[tilespmem:s8], [sflag:$0x1] =	stream.indirect_vreg.gather [hbm4b:s1+s3], $0x80, v4, vm0, $0xb8;
	[tilespmem:$0x10400] =	vst v63  }
0x8b: {  	v3 =	vperm.xlane v3, v2  }
0x8c: {  	[tilespmem:s14], [sflag:$0x1] =	stream.indirect_vreg.gather [hbm4b:s5+s3], $0x80, v4, vm0, $0xb8;
	[tilespmem:$0x10400] =	vst v63  }
0x8d: {  	v3 =	vadd.s32 v1, v3  }
0x8e: {  	[tilespmem:s12], [sflag:$0x1] =	stream.indirect_vreg.gather [hbm4b:s6+s3], $0x80, v4, vm0, $0xb8;
	[tilespmem:$0x10400] =	vst v63  }
0x8f: {  	_ = 	snop  }
0x90: {  	[tilespmem:s13], [sflag:$0x1] =	stream.indirect_vreg.gather [hbm4b:s7+s3], $0x80, v4, vm0, $0xb8;
	[tilespmem:$0x10400] =	vst v63  }
0x91: {  	_ = 	snop  }
0x92: {  	[tilespmem:s25], [sflag:$0x1] =	stream.indirect_vreg.gather [hbm4b:s1+s3], $0x80, v3, vm0, $0xb8;
	[tilespmem:$0x10400] =	vst v63  }
0x93: {  	_ = 	snop  }
0x94: {  	[tilespmem:s26], [sflag:$0x1] =	stream.indirect_vreg.gather [hbm4b:s5+s3], $0x80, v3, vm0, $0xb8;
	[tilespmem:$0x10400] =	vst v63  }
0x95: {  	_ = 	snop  }
0x96: {  	[tilespmem:s28], [sflag:$0x1] =	stream.indirect_vreg.gather [hbm4b:s6+s3], $0x80, v3, vm0, $0xb8;
	[tilespmem:$0x10400] =	vst v63  }
0x97: {  	_ = 	snop  }
0x98: {  	[tilespmem:s30], [sflag:$0x1] =	stream.indirect_vreg.gather [hbm4b:s7+s3], $0x80, v3, vm0, $0xb8;
	[tilespmem:$0x10400] =	vst v63  }
0x99: {  	_ =	swait.ge [sflag:s2], $0x4000  }
0x9a: {  	[sflag:s2] =	ssyncset.done $0x0  }
0x9b: {  	s15 =	rddreg [dreg:$0x9];
	[sflag:s2] =	ssyncadd.s32 $0xFFFFC000  }
0x9c: {  	[hbm4b:s15+s3] =	stream.linear.scatter [tilespmem:s16], [sflag:$0x8], $0x4000, $0x38;
	[tilespmem:$0x10400] =	vst v63  }
0x9d: {  	_ =	swait.ge [sflag:s17], $0x4000  }
0x9e: {  	[sflag:s17] =	ssyncset.done $0x0  }
0x9f: {  	[sflag:s17] =	ssyncadd.s32 $0xFFFFC000  }
0xa0: {  	v3 =	vld [tilespmem:$0x50];
	_ =	sdelay $0x4  }
0xa1: {  	v63 =	vshll.u32 v3, $0x3  }
0xa2: {  	v3 =	vand.u32 $0x7, v3;
	v4 =	vand.u32 $0xFFFFFFC0, v63  }
0xa3: {  	v3 =	vor.u32 v3, v4  }
0xa4: {  	v4 =	vperm.xlane v3, v0;
	_ =	sdelay $0x1  }
0xa5: {  	v4 =	vadd.s32 v1, v4;
	_ =	sdelay $0x4  }
0xa6: {  	[tilespmem:s10], [sflag:$0x2] =	stream.indirect_vreg.gather [hbm4b:s1+s3], $0x80, v4, vm0, $0xb8;
	[tilespmem:$0x10400] =	vst v63  }
0xa7: {  	v3 =	vperm.xlane v3, v2  }
0xa8: {  	[tilespmem:s20], [sflag:$0x2] =	stream.indirect_vreg.gather [hbm4b:s5+s3], $0x80, v4, vm0, $0xb8;
	[tilespmem:$0x10400] =	vst v63  }
0xa9: {  	v3 =	vadd.s32 v1, v3  }
0xaa: {  	[tilespmem:s23], [sflag:$0x2] =	stream.indirect_vreg.gather [hbm4b:s6+s3], $0x80, v4, vm0, $0xb8;
	[tilespmem:$0x10400] =	vst v63  }
0xab: {  	s11 =	simm.s32 $0x90  }
0xac: {  	[tilespmem:s24], [sflag:$0x2] =	stream.indirect_vreg.gather [hbm4b:s7+s3], $0x80, v4, vm0, $0xb8;
	[tilespmem:$0x10400] =	vst v63  }
0xad: {  	s8 =	simm.s32 $0x6400;
	s12 =	simm.s32 $0x0;
	s25 =	simm.s32 $0x2C00  }
0xae: {  	[tilespmem:s29], [sflag:$0x2] =	stream.indirect_vreg.gather [hbm4b:s1+s3], $0x80, v3, vm0, $0xb8;
	[tilespmem:$0x10400] =	vst v63  }
0xaf: {  	s26 =	simm.s32 $0x3400;
	s28 =	simm.s32 $0x3C00;
	s29 =	simm.s32 $0x6C00  }
0xb0: {  	[tilespmem:s29], [sflag:$0x2] =	stream.indirect_vreg.gather [hbm4b:s5+s3], $0x80, v3, vm0, $0xb8;
	[tilespmem:$0x10400] =	vst v63  }
0xb1: {  	s30 =	simm.s32 $0x4C00;
	s15 =	simm.s32 $0x5400;
	s16 =	simm.s32 $0x5C00  }
0xb2: {  	[tilespmem:s21], [sflag:$0x2] =	stream.indirect_vreg.gather [hbm4b:s6+s3], $0x80, v3, vm0, $0xb8;
	[tilespmem:$0x10400] =	vst v63  }
0xb3: {  	s20 =	simm.s32 $0x6C00;
	s23 =	simm.s32 $0x7400;
	s24 =	simm.s32 $0x7C00  }
0xb4: {  	[tilespmem:s22], [sflag:$0x2] =	stream.indirect_vreg.gather [hbm4b:s7+s3], $0x80, v3, vm0, $0xb8;
	[tilespmem:$0x10400] =	vst v63  }
.LBB2_2:
0xb5: {  	_ =	swait.ge [sflag:s9], $0x4000  }
0xb6: {  	s13 =	rddreg [dreg:$0x4]  }
0xb7: {  	[sflag:s9] =	ssyncset.done $0x0;
	s13 =	sadd.s32 s12, s13  }
0xb8: {  	s10 =	simm.s32 $0x400;
	[sflag:s9] =	ssyncadd.s32 $0xFFFFC000;
	s14 =	sadd.s32 $0x2000, s13  }
0xb9: {  	[hbm4b:s14+s3] =	stream.linear.scatter [tilespmem:s10], [sflag:$0x5], $0x4000, $0x38;
	[tilespmem:$0x10400] =	vst v63  }
0xba: {  	_ =	swait.ge [sflag:s18], $0x4000  }
0xbb: {  	[sflag:s18] =	ssyncset.done $0x0  }
0xbc: {  	[sflag:s18] =	ssyncadd.s32 $0xFFFFC000  }
0xbd: {  	v3 =	vld [tilespmem:s11+$0xFFFFFFD0];
	_ =	sdelay $0x4  }
0xbe: {  	v4 =	vshll.u32 v3, $0x3  }
0xbf: {  	v3 =	vand.u32 $0x7, v3;
	v4 =	vand.u32 $0xFFFFFFC0, v4  }
0xc0: {  	v3 =	vor.u32 v3, v4  }
0xc1: {  	v4 =	vperm.xlane v3, v0;
	_ =	sdelay $0x1  }
0xc2: {  	v4 =	vadd.s32 v1, v4;
	_ =	sdelay $0x3  }
0xc3: {  	s29 =	simm.s32 $0x8400  }
0xc4: {  	[tilespmem:s29], [sflag:$0x3] =	stream.indirect_vreg.gather [hbm4b:s1+s3], $0x80, v4, vm0, $0xb8;
	[tilespmem:$0x10400] =	vst v63  }
0xc5: {  	s21 =	simm.s32 $0x8C00;
	v3 =	vperm.xlane v3, v2  }
0xc6: {  	[tilespmem:s21], [sflag:$0x3] =	stream.indirect_vreg.gather [hbm4b:s5+s3], $0x80, v4, vm0, $0xb8;
	[tilespmem:$0x10400] =	vst v63  }
0xc7: {  	s22 =	simm.s32 $0x9400;
	v3 =	vadd.s32 v1, v3  }
0xc8: {  	[tilespmem:s22], [sflag:$0x3] =	stream.indirect_vreg.gather [hbm4b:s6+s3], $0x80, v4, vm0, $0xb8;
	[tilespmem:$0x10400] =	vst v63  }
0xc9: {  	s21 =	simm.s32 $0x9C00  }
0xca: {  	[tilespmem:s21], [sflag:$0x3] =	stream.indirect_vreg.gather [hbm4b:s7+s3], $0x80, v4, vm0, $0xb8;
	[tilespmem:$0x10400] =	vst v63  }
0xcb: {  	s22 =	simm.s32 $0xA400  }
0xcc: {  	[tilespmem:s22], [sflag:$0x3] =	stream.indirect_vreg.gather [hbm4b:s1+s3], $0x80, v3, vm0, $0xb8;
	[tilespmem:$0x10400] =	vst v63  }
0xcd: {  	s21 =	simm.s32 $0xAC00  }
0xce: {  	[tilespmem:s21], [sflag:$0x3] =	stream.indirect_vreg.gather [hbm4b:s5+s3], $0x80, v3, vm0, $0xb8;
	[tilespmem:$0x10400] =	vst v63  }
0xcf: {  	s22 =	simm.s32 $0xB400  }
0xd0: {  	[tilespmem:s22], [sflag:$0x3] =	stream.indirect_vreg.gather [hbm4b:s6+s3], $0x80, v3, vm0, $0xb8;
	[tilespmem:$0x10400] =	vst v63  }
0xd1: {  	s21 =	simm.s32 $0xBC00  }
0xd2: {  	[tilespmem:s21], [sflag:$0x3] =	stream.indirect_vreg.gather [hbm4b:s7+s3], $0x80, v3, vm0, $0xb8;
	[tilespmem:$0x10400] =	vst v63  }
0xd3: {  	_ =	swait.ge [sflag:s19], $0x4000  }
0xd4: {  	[sflag:s19] =	ssyncset.done $0x0  }
0xd5: {  	s22 =	sadd.s32 $0x2800, s13;
	s21 =	simm.s32 $0x4400;
	[sflag:s19] =	ssyncadd.s32 $0xFFFFC000  }
0xd6: {  	[hbm4b:s22+s3] =	stream.linear.scatter [tilespmem:s21], [sflag:$0x6], $0x4000, $0x38;
	[tilespmem:$0x10400] =	vst v63  }
0xd7: {  	_ =	swait.ge [sflag:s4], $0x4000  }
0xd8: {  	[sflag:s4] =	ssyncset.done $0x0  }
0xd9: {  	[sflag:s4] =	ssyncadd.s32 $0xFFFFC000  }
0xda: {  	v3 =	vld [tilespmem:s11+$0xFFFFFFE0];
	_ =	sdelay $0x4  }
0xdb: {  	v61 =	vshll.u32 v3, $0x3  }
0xdc: {  	v3 =	vand.u32 $0x7, v3;
	v4 =	vand.u32 $0xFFFFFFC0, v61  }
0xdd: {  	v3 =	vor.u32 v3, v4  }
0xde: {  	v4 =	vperm.xlane v3, v0;
	_ =	sdelay $0x1  }
0xdf: {  	v4 =	vadd.s32 v1, v4;
	_ =	sdelay $0x3  }
0xe0: {  	s22 =	simm.s32 $0xC400  }
0xe1: {  	[tilespmem:s22], [sflag:$0x4] =	stream.indirect_vreg.gather [hbm4b:s1+s3], $0x80, v4, vm0, $0xb8;
	[tilespmem:$0x10400] =	vst v63  }
0xe2: {  	s14 =	simm.s32 $0xCC00;
	v3 =	vperm.xlane v3, v2  }
0xe3: {  	[tilespmem:s14], [sflag:$0x4] =	stream.indirect_vreg.gather [hbm4b:s5+s3], $0x80, v4, vm0, $0xb8;
	[tilespmem:$0x10400] =	vst v63  }
0xe4: {  	v3 =	vadd.s32 v1, v3;
	s14 =	simm.s32 $0xD400  }
0xe5: {  	[tilespmem:s14], [sflag:$0x4] =	stream.indirect_vreg.gather [hbm4b:s6+s3], $0x80, v4, vm0, $0xb8;
	[tilespmem:$0x10400] =	vst v63  }
0xe6: {  	s14 =	simm.s32 $0xDC00  }
0xe7: {  	[tilespmem:s14], [sflag:$0x4] =	stream.indirect_vreg.gather [hbm4b:s7+s3], $0x80, v4, vm0, $0xb8;
	[tilespmem:$0x10400] =	vst v63  }
0xe8: {  	s14 =	simm.s32 $0xE400  }
0xe9: {  	[tilespmem:s14], [sflag:$0x4] =	stream.indirect_vreg.gather [hbm4b:s1+s3], $0x80, v3, vm0, $0xb8;
	[tilespmem:$0x10400] =	vst v63  }
0xea: {  	s14 =	simm.s32 $0xEC00  }
0xeb: {  	[tilespmem:s14], [sflag:$0x4] =	stream.indirect_vreg.gather [hbm4b:s5+s3], $0x80, v3, vm0, $0xb8;
	[tilespmem:$0x10400] =	vst v63  }
0xec: {  	s14 =	simm.s32 $0xF400  }
0xed: {  	[tilespmem:s14], [sflag:$0x4] =	stream.indirect_vreg.gather [hbm4b:s6+s3], $0x80, v3, vm0, $0xb8;
	[tilespmem:$0x10400] =	vst v63  }
0xee: {  	s14 =	simm.s32 $0xFC00  }
0xef: {  	[tilespmem:s14], [sflag:$0x4] =	stream.indirect_vreg.gather [hbm4b:s7+s3], $0x80, v3, vm0, $0xb8;
	[tilespmem:$0x10400] =	vst v63  }
0xf0: {  	_ =	swait.ge [sflag:s31], $0x4000  }
0xf1: {  	[sflag:s31] =	ssyncset.done $0x0  }
0xf2: {  	s14 =	sadd.s32 $0x3000, s13;
	[sflag:s31] =	ssyncadd.s32 $0xFFFFC000  }
0xf3: {  	[hbm4b:s14+s3] =	stream.linear.scatter [tilespmem:s29], [sflag:$0x7], $0x4000, $0x38;
	[tilespmem:$0x10400] =	vst v63  }
0xf4: {  	_ =	swait.ge [sflag:s0], $0x4000  }
0xf5: {  	[sflag:s0] =	ssyncset.done $0x0  }
0xf6: {  	[sflag:s0] =	ssyncadd.s32 $0xFFFFC000  }
0xf7: {  	v3 =	vld [tilespmem:s11+$0xFFFFFFF0];
	_ =	sdelay $0x4  }
0xf8: {  	v62 =	vshll.u32 v3, $0x3  }
0xf9: {  	v3 =	vand.u32 $0x7, v3;
	v4 =	vand.u32 $0xFFFFFFC0, v62  }
0xfa: {  	v3 =	vor.u32 v3, v4  }
0xfb: {  	v4 =	vperm.xlane v3, v0;
	_ =	sdelay $0x1  }
0xfc: {  	v4 =	vadd.s32 v1, v4;
	_ =	sdelay $0x4  }
0xfd: {  	[tilespmem:s10], [sflag:$0x1] =	stream.indirect_vreg.gather [hbm4b:s1+s3], $0x80, v4, vm0, $0xb8;
	[tilespmem:$0x10400] =	vst v63  }
0xfe: {  	s14 =	simm.s32 $0xC00;
	v3 =	vperm.xlane v3, v2  }
0xff: {  	[tilespmem:s14], [sflag:$0x1] =	stream.indirect_vreg.gather [hbm4b:s5+s3], $0x80, v4, vm0, $0xb8;
	[tilespmem:$0x10400] =	vst v63  }
0x100: {  	v3 =	vadd.s32 v1, v3;
	s10 =	simm.s32 $0x1400  }
0x101: {  	[tilespmem:s10], [sflag:$0x1] =	stream.indirect_vreg.gather [hbm4b:s6+s3], $0x80, v4, vm0, $0xb8;
	[tilespmem:$0x10400] =	vst v63  }
0x102: {  	s10 =	simm.s32 $0x1C00  }
0x103: {  	[tilespmem:s10], [sflag:$0x1] =	stream.indirect_vreg.gather [hbm4b:s7+s3], $0x80, v4, vm0, $0xb8;
	[tilespmem:$0x10400] =	vst v63  }
0x104: {  	s10 =	simm.s32 $0x2400  }
0x105: {  	[tilespmem:s10], [sflag:$0x1] =	stream.indirect_vreg.gather [hbm4b:s1+s3], $0x80, v3, vm0, $0xb8;
	[tilespmem:$0x10400] =	vst v63  }
0x106: {  	_ = 	snop  }
0x107: {  	[tilespmem:s25], [sflag:$0x1] =	stream.indirect_vreg.gather [hbm4b:s5+s3], $0x80, v3, vm0, $0xb8;
	[tilespmem:$0x10400] =	vst v63  }
0x108: {  	_ = 	snop  }
0x109: {  	[tilespmem:s26], [sflag:$0x1] =	stream.indirect_vreg.gather [hbm4b:s6+s3], $0x80, v3, vm0, $0xb8;
	[tilespmem:$0x10400] =	vst v63  }
0x10a: {  	_ = 	snop  }
0x10b: {  	[tilespmem:s28], [sflag:$0x1] =	stream.indirect_vreg.gather [hbm4b:s7+s3], $0x80, v3, vm0, $0xb8;
	[tilespmem:$0x10400] =	vst v63  }
0x10c: {  	_ =	swait.ge [sflag:s2], $0x4000  }
0x10d: {  	[sflag:s2] =	ssyncset.done $0x0  }
0x10e: {  	s13 =	sadd.s32 $0x3800, s13;
	[sflag:s2] =	ssyncadd.s32 $0xFFFFC000  }
0x10f: {  	[hbm4b:s13+s3] =	stream.linear.scatter [tilespmem:s22], [sflag:$0x8], $0x4000, $0x38;
	[tilespmem:$0x10400] =	vst v63  }
0x110: {  	_ =	swait.ge [sflag:s17], $0x4000  }
0x111: {  	[sflag:s17] =	ssyncset.done $0x0  }
0x112: {  	[sflag:s17] =	ssyncadd.s32 $0xFFFFC000  }
0x113: {  	v3 =	vld [tilespmem:s11+$0x0];
	_ =	sdelay $0x4  }
0x114: {  	v63 =	vshll.u32 v3, $0x3  }
0x115: {  	v3 =	vand.u32 $0x7, v3;
	v4 =	vand.u32 $0xFFFFFFC0, v63  }
0x116: {  	v3 =	vor.u32 v3, v4  }
0x117: {  	v4 =	vperm.xlane v3, v0;
	_ =	sdelay $0x1  }
0x118: {  	v4 =	vadd.s32 v1, v4;
	_ =	sdelay $0x4  }
0x119: {  	[tilespmem:s21], [sflag:$0x2] =	stream.indirect_vreg.gather [hbm4b:s1+s3], $0x80, v4, vm0, $0xb8;
	[tilespmem:$0x10400] =	vst v63  }
0x11a: {  	v3 =	vperm.xlane v3, v2  }
0x11b: {  	[tilespmem:s30], [sflag:$0x2] =	stream.indirect_vreg.gather [hbm4b:s5+s3], $0x80, v4, vm0, $0xb8;
	[tilespmem:$0x10400] =	vst v63  }
0x11c: {  	v3 =	vadd.s32 v1, v3  }
0x11d: {  	[tilespmem:s15], [sflag:$0x2] =	stream.indirect_vreg.gather [hbm4b:s6+s3], $0x80, v4, vm0, $0xb8;
	[tilespmem:$0x10400] =	vst v63  }
0x11e: {  	_ = 	snop  }
0x11f: {  	[tilespmem:s16], [sflag:$0x2] =	stream.indirect_vreg.gather [hbm4b:s7+s3], $0x80, v4, vm0, $0xb8;
	[tilespmem:$0x10400] =	vst v63  }
0x120: {  	_ = 	snop  }
0x121: {  	[tilespmem:s8], [sflag:$0x2] =	stream.indirect_vreg.gather [hbm4b:s1+s3], $0x80, v3, vm0, $0xb8;
	[tilespmem:$0x10400] =	vst v63  }
0x122: {  	p0 =	sne.s32 s12, $0x1A000  }
0x123: {  	[tilespmem:s20], [sflag:$0x2] =	stream.indirect_vreg.gather [hbm4b:s5+s3], $0x80, v3, vm0, $0xb8;
	[tilespmem:$0x10400] =	vst v63  }
.Ltmp0:
0x124: {  	_ = 	snop;
	(pc) =	sbr.rel @p0 .LBB2_2-.Ltmp0, $4  }
0x125: {  	s12 =	sadd.s32 $0x2000, s12  }
0x126: {  	[tilespmem:s23], [sflag:$0x2] =	stream.indirect_vreg.gather [hbm4b:s6+s3], $0x80, v3, vm0, $0xb8;
	[tilespmem:$0x10400] =	vst v63  }
0x127: {  	s29 =	simm.s32 $0x400;
	s10 =	simm.s32 $0x4400;
	s11 =	sadd.s32 $0x40, s11  }
0x128: {  	[tilespmem:s24], [sflag:$0x2] =	stream.indirect_vreg.gather [hbm4b:s7+s3], $0x80, v3, vm0, $0xb8;
	[tilespmem:$0x10400] =	vst v63  }
0x129: {  	_ =	swait.ge [sflag:s9], $0x4000  }
0x12a: {  	[sflag:s9] =	ssyncset.done $0x0  }
0x12b: {  	s11 =	rddreg [dreg:$0xa];
	[sflag:s9] =	ssyncadd.s32 $0xFFFFC000  }
0x12c: {  	[hbm4b:s11+s3] =	stream.linear.scatter [tilespmem:s29], [sflag:$0x5], $0x4000, $0x38;
	[tilespmem:$0x10400] =	vst v63  }
0x12d: {  	_ =	swait.ge [sflag:s18], $0x4000  }
0x12e: {  	[sflag:s18] =	ssyncset.done $0x0  }
0x12f: {  	[sflag:s18] =	ssyncadd.s32 $0xFFFFC000  }
0x130: {  	v3 =	vld [tilespmem:$0x3E0];
	_ =	sdelay $0x4  }
0x131: {  	v4 =	vshll.u32 v3, $0x3  }
0x132: {  	v3 =	vand.u32 $0x7, v3;
	v4 =	vand.u32 $0xFFFFFFC0, v4  }
0x133: {  	v3 =	vor.u32 v3, v4  }
0x134: {  	v4 =	vperm.xlane v3, v0;
	_ =	sdelay $0x1  }
0x135: {  	v4 =	vadd.s32 v1, v4;
	_ =	sdelay $0x3  }
0x136: {  	s12 =	simm.s32 $0x8400  }
0x137: {  	[tilespmem:s12], [sflag:$0x3] =	stream.indirect_vreg.gather [hbm4b:s1+s3], $0x80, v4, vm0, $0xb8;
	[tilespmem:$0x10400] =	vst v63  }
0x138: {  	s8 =	simm.s32 $0x8C00;
	v3 =	vperm.xlane v3, v2  }
0x139: {  	[tilespmem:s8], [sflag:$0x3] =	stream.indirect_vreg.gather [hbm4b:s5+s3], $0x80, v4, vm0, $0xb8;
	[tilespmem:$0x10400] =	vst v63  }
0x13a: {  	s25 =	simm.s32 $0x9400;
	v3 =	vadd.s32 v1, v3  }
0x13b: {  	[tilespmem:s25], [sflag:$0x3] =	stream.indirect_vreg.gather [hbm4b:s6+s3], $0x80, v4, vm0, $0xb8;
	[tilespmem:$0x10400] =	vst v63  }
0x13c: {  	s26 =	simm.s32 $0x9C00  }
0x13d: {  	[tilespmem:s26], [sflag:$0x3] =	stream.indirect_vreg.gather [hbm4b:s7+s3], $0x80, v4, vm0, $0xb8;
	[tilespmem:$0x10400] =	vst v63  }
0x13e: {  	s28 =	simm.s32 $0xA400  }
0x13f: {  	[tilespmem:s28], [sflag:$0x3] =	stream.indirect_vreg.gather [hbm4b:s1+s3], $0x80, v3, vm0, $0xb8;
	[tilespmem:$0x10400] =	vst v63  }
0x140: {  	s29 =	simm.s32 $0xAC00  }
0x141: {  	[tilespmem:s29], [sflag:$0x3] =	stream.indirect_vreg.gather [hbm4b:s5+s3], $0x80, v3, vm0, $0xb8;
	[tilespmem:$0x10400] =	vst v63  }
0x142: {  	s30 =	simm.s32 $0xB400  }
0x143: {  	[tilespmem:s30], [sflag:$0x3] =	stream.indirect_vreg.gather [hbm4b:s6+s3], $0x80, v3, vm0, $0xb8;
	[tilespmem:$0x10400] =	vst v63  }
0x144: {  	s11 =	simm.s32 $0xBC00  }
0x145: {  	[tilespmem:s11], [sflag:$0x3] =	stream.indirect_vreg.gather [hbm4b:s7+s3], $0x80, v3, vm0, $0xb8;
	[tilespmem:$0x10400] =	vst v63  }
0x146: {  	_ =	swait.ge [sflag:s19], $0x4000  }
0x147: {  	[sflag:s19] =	ssyncset.done $0x0  }
0x148: {  	s13 =	rddreg [dreg:$0xb];
	[sflag:s19] =	ssyncadd.s32 $0xFFFFC000  }
0x149: {  	[hbm4b:s13+s3] =	stream.linear.scatter [tilespmem:s10], [sflag:$0x6], $0x4000, $0x38;
	[tilespmem:$0x10400] =	vst v63  }
0x14a: {  	_ =	swait.ge [sflag:s4], $0x4000  }
0x14b: {  	[sflag:s4] =	ssyncset.done $0x0  }
0x14c: {  	[sflag:s4] =	ssyncadd.s32 $0xFFFFC000  }
0x14d: {  	v3 =	vld [tilespmem:$0x3F0];
	_ =	sdelay $0x4  }
0x14e: {  	v63 =	vshll.u32 v3, $0x3  }
0x14f: {  	v3 =	vand.u32 $0x7, v3;
	v4 =	vand.u32 $0xFFFFFFC0, v63  }
0x150: {  	v3 =	vor.u32 v3, v4  }
0x151: {  	v4 =	vperm.xlane v3, v0;
	_ =	sdelay $0x1  }
0x152: {  	v4 =	vadd.s32 v1, v4;
	_ =	sdelay $0x3  }
0x153: {  	s15 =	simm.s32 $0xC400  }
0x154: {  	[tilespmem:s15], [sflag:$0x4] =	stream.indirect_vreg.gather [hbm4b:s1+s3], $0x80, v4, vm0, $0xb8;
	[tilespmem:$0x10400] =	vst v63  }
0x155: {  	s16 =	simm.s32 $0xCC00;
	v3 =	vperm.xlane v3, v2  }
0x156: {  	[tilespmem:s16], [sflag:$0x4] =	stream.indirect_vreg.gather [hbm4b:s5+s3], $0x80, v4, vm0, $0xb8;
	[tilespmem:$0x10400] =	vst v63  }
0x157: {  	s20 =	simm.s32 $0xD400;
	v3 =	vadd.s32 v1, v3  }
0x158: {  	[tilespmem:s20], [sflag:$0x4] =	stream.indirect_vreg.gather [hbm4b:s6+s3], $0x80, v4, vm0, $0xb8;
	[tilespmem:$0x10400] =	vst v63  }
0x159: {  	s21 =	simm.s32 $0xDC00  }
0x15a: {  	[tilespmem:s21], [sflag:$0x4] =	stream.indirect_vreg.gather [hbm4b:s7+s3], $0x80, v4, vm0, $0xb8;
	[tilespmem:$0x10400] =	vst v63  }
0x15b: {  	s22 =	simm.s32 $0xE400  }
0x15c: {  	[tilespmem:s22], [sflag:$0x4] =	stream.indirect_vreg.gather [hbm4b:s1+s3], $0x80, v3, vm0, $0xb8;
	[tilespmem:$0x10400] =	vst v63  }
0x15d: {  	s23 =	simm.s32 $0xEC00  }
0x15e: {  	[tilespmem:s23], [sflag:$0x4] =	stream.indirect_vreg.gather [hbm4b:s5+s3], $0x80, v3, vm0, $0xb8;
	[tilespmem:$0x10400] =	vst v63  }
0x15f: {  	s24 =	simm.s32 $0xF400  }
0x160: {  	[tilespmem:s24], [sflag:$0x4] =	stream.indirect_vreg.gather [hbm4b:s6+s3], $0x80, v3, vm0, $0xb8;
	[tilespmem:$0x10400] =	vst v63  }
0x161: {  	s25 =	simm.s32 $0xFC00  }
0x162: {  	[tilespmem:s25], [sflag:$0x4] =	stream.indirect_vreg.gather [hbm4b:s7+s3], $0x80, v3, vm0, $0xb8;
	[tilespmem:$0x10400] =	vst v63  }
0x163: {  	_ =	swait.ge [sflag:s31], $0x4000  }
0x164: {  	[sflag:s31] =	ssyncset.done $0x0  }
0x165: {  	s26 =	rddreg [dreg:$0xc];
	[sflag:s31] =	ssyncadd.s32 $0xFFFFC000  }
0x166: {  	[hbm4b:s26+s3] =	stream.linear.scatter [tilespmem:s12], [sflag:$0x7], $0x4000, $0x38;
	[tilespmem:$0x10400] =	vst v63  }
0x167: {  	_ =	swait.ge [sflag:s2], $0x4000  }
0x168: {  	[sflag:s2] =	ssyncset.done $0x0  }
0x169: {  	s28 =	rddreg [dreg:$0xd];
	[sflag:s2] =	ssyncadd.s32 $0xFFFFC000  }
0x16a: {  	[hbm4b:s28+s3] =	stream.linear.scatter [tilespmem:s15], [sflag:$0x8], $0x4000, $0x38;
	[tilespmem:$0x10400] =	vst v63  }
0x16b: {  	_ =	swait.ge [sflag:s0], $0x4000  }
0x16c: {  	[sflag:s0] =	ssyncset.done $0x0  }
0x16d: {  	[sflag:s0] =	ssyncadd.s32 $0xFFFFC000  }
0x16e: {  	_ =	swait.ge [sflag:s17], $0x4000  }
0x16f: {  	[sflag:s17] =	ssyncset.done $0x0  }
0x170: {  	[sflag:s17] =	ssyncadd.s32 $0xFFFFC000  }
0x171: {  	_ =	swait.ge [sflag:s18], $0x4000  }
0x172: {  	[sflag:s18] =	ssyncset.done $0x0  }
0x173: {  	[sflag:s18] =	ssyncadd.s32 $0xFFFFC000  }
0x174: {  	_ =	swait.ge [sflag:s4], $0x4000  }
0x175: {  	s29 =	rddreg [dreg:$0xf]  }
0x176: {  	s30 =	rddreg [dreg:$0xe];
	s8 =	sadd.s32 $0x1, s29  }
0x177: {  	p0 =	sne.s32 s8, s30  }
.Ltmp1:
0x178: {  	_ = 	snop;
	(pc) =	sbr.rel @p0 .LBB2_1-.Ltmp1, $3  }
0x179: {  	_ =	sdelay $0x1  }
0x17a: {  	[sflag:s4] =	ssyncset.done $0x0  }
0x17b: {  	[sflag:s4] =	ssyncadd.s32 $0xFFFFC000  }
0x17c: {  	_ =	sfence.sel $0x180000  }
0x17d: {  	[bflag:$0x0] =	sbarrier.arrive $0xFFFF  }
0x17e: {  	_ =	strace $0x90000047  }
0x17f: {  	s0 =	stileid.u32;
	[bflag:$0x2] =	sbarrier.arrive $0xFFFF  }
0x180: {  	p0 =	sne.s32 s0, $0x0;
	s0 =	rddreg [dreg:$0x3]  }
0x181: {  	s0 =	sadd.s32 @!p0 $0x100000, s0  }
0x182: {  	[sflag:s0] =	ssyncadd.tile.s32 @!p0 $0x1;
	_ =	shalt  }
.Lfunc_end2:
_tile_overlayer_lowered:
.L_overlay_start_2:
0x183: {  	(tag) =	ssettag $0x2  }
0x184: {  	s0 =	rddreg [dreg:$0x0];
	s2 =	stileid.u32  }
0x185: {  	s1 =	rddreg [dreg:$0x1];
	p0 =	sne.s32 s2, $0x0  }
0x186: {  	s3 =	rddreg [dreg:$0x2];
	[bflag:$0x3] =	sbarrier.arrive $0xFFFF;
	s2 =	simm.s32 @!p0 $0x1C09  }
0x187: {  	[timem:s3], [sflag:s2] =	dma.local @!p0 [hbm:s0], s1  }
0x188: {  	s0 =	simm.s32 @!p0 $0x9  }
0x189: {  	_ =	swait.ge @!p0 [sflag:s0], s1  }
0x18a: {  	s1 =	ssub.s32 @!p0 $0x0, s1;
	[sflag:s0] =	ssyncset.done @!p0 $0x0  }
0x18b: {  	[sflag:s0] =	ssyncadd.s32 @!p0 s1  }
0x18c: {  	[bflag:$0x3] =	sbarrier.arrive $0xFFFF  }
0x18d: {  	_ =	shalt  }

</sc_bundles>
